<compile_context>
chip_gen: v7x
topology: tpu7x:2x2x1
jax: 0.10.2.dev20260603
libtpu: 0.0.44.dev20260713+nightly
codegen_flags: <defaults>
</compile_context>

<pallas_src>
import functools

import jax
import jax.numpy as jnp
from jax import lax
from jax.experimental import pallas as pl
from jax.experimental.pallas import tpu as pltpu
from jax.experimental.pallas import tpu_sc as plsc

N = 10000
E = 160000
NP = 10240
HALF = 128
TILES = 16
RPT = NP // TILES
CHUNK = 128
CH = 84
EPT = CH * CHUNK
JUNK = N + 8

_mesh = plsc.VectorSubcoreMesh(core_axis_name="c", subcore_axis_name="s")


@functools.partial(
    pl.kernel,
    out_type=jax.ShapeDtypeStruct((NP,), jnp.float32),
    mesh=_mesh,
    scratch_types=[
        pltpu.VMEM((CH, CHUNK), jnp.int32),
        pltpu.VMEM((CHUNK,), jnp.float32),
        pltpu.VMEM((RPT,), jnp.float32),
        pltpu.VMEM_SHARED((NP,), jnp.float32),
        pltpu.SemaphoreType.DMA,
    ],
)
def _sc_degree(col_hbm, deg_hbm, col_v, ones_v, zero_v, acc, sem):
    c = lax.axis_index("c")
    s = lax.axis_index("s")
    pltpu.async_copy(col_hbm.at[s], col_v, sem).wait()
    for j in range(CHUNK // 16):
        ones_v[pl.ds(j * 16, 16)] = jnp.ones((16,), jnp.float32)

    @pl.loop(0, RPT // 16)
    def _zero(i):
        zero_v[pl.ds(i * 16, 16)] = jnp.zeros((16,), jnp.float32)

    pltpu.sync_copy(zero_v, acc.at[pl.ds(s * RPT, RPT)])
    plsc.subcore_barrier()

    @pl.loop(0, CH)
    def _scatter(j):
        pltpu.sync_copy(ones_v, acc.at[col_v.at[j]], add=True)

    plsc.subcore_barrier()

    @pl.when(c == 0)
    def _writeback():
        pltpu.sync_copy(acc.at[pl.ds(s * RPT, RPT)],
                        deg_hbm.at[pl.ds(s * RPT, RPT)])


@functools.partial(
    pl.kernel,
    out_type=jax.ShapeDtypeStruct((2, NP, HALF), jnp.float32),
    mesh=_mesh,
    scratch_types=[
        pltpu.VMEM((CH, CHUNK), jnp.int32),
        pltpu.VMEM((CH, CHUNK), jnp.int32),
        pltpu.VMEM((CHUNK, HALF), jnp.float32),
        pltpu.VMEM_SHARED((NP, HALF), jnp.float32),
        pltpu.SemaphoreType.DMA,
        pltpu.SemaphoreType.DMA,
        pltpu.SemaphoreType.DMA,
    ],
)
def _sc_prop(src_hbm, rowidx_hbm, colidx_hbm, out_hbm,
             row_v, col_v, dbuf, acc, gsem, ssem, isem):
    c = lax.axis_index("c")
    s = lax.axis_index("s")
    pltpu.async_copy(rowidx_hbm.at[c, s], row_v, isem).wait()
    pltpu.async_copy(colidx_hbm.at[s], col_v, isem).wait()

    @pl.loop(0, CHUNK)
    def _zfill(i):
        for j in range(HALF // 16):
            dbuf[i, pl.ds(j * 16, 16)] = jnp.zeros((16,), jnp.float32)

    for k in range(RPT // CHUNK):
        pltpu.sync_copy(dbuf, acc.at[pl.ds(s * RPT + k * CHUNK, CHUNK)])
    plsc.subcore_barrier()

    @pl.loop(0, CH)
    def _edges(j):
        pltpu.async_copy(src_hbm.at[row_v.at[j]], dbuf, gsem).wait()
        pltpu.async_copy(dbuf, acc.at[col_v.at[j]], ssem, add=True).wait()

    plsc.subcore_barrier()
    pltpu.sync_copy(acc.at[pl.ds(s * RPT, RPT)],
                    out_hbm.at[c, pl.ds(s * RPT, RPT)])


def _tc_pre_body(x_ref, deg_ref, dinv_ref, xs_ref):
    dinv = lax.rsqrt(jnp.maximum(deg_ref[...], 1.0))
    dinv_ref[...] = dinv
    xs = x_ref[...] * dinv[:, None]
    xs_ref[0] = xs[:, :HALF]
    xs_ref[1] = xs[:, HALF:]


_tc_pre = pl.pallas_call(
    _tc_pre_body,
    out_shape=[
        jax.ShapeDtypeStruct((NP,), jnp.float32),
        jax.ShapeDtypeStruct((2, NP, HALF), jnp.float32),
    ],
)


def _tc_mid_body(s1_ref, dinv_ref, w1_ref, b1_ref, hs_ref):
    dinv = dinv_ref[...]
    agg = jnp.concatenate([s1_ref[0], s1_ref[1]], axis=1) * dinv[:, None]
    h = jnp.maximum(
        jnp.dot(agg, w1_ref[...], preferred_element_type=jnp.float32)
        + b1_ref[...][None, :], 0.0)
    hs = h * dinv[:, None]
    hs_ref[0] = hs[:, :HALF]
    hs_ref[1] = hs[:, HALF:]


_tc_mid = pl.pallas_call(
    _tc_mid_body,
    out_shape=jax.ShapeDtypeStruct((2, NP, HALF), jnp.float32),
)


def _tc_fin_body(s2_ref, dinv_ref, wmu_ref, bmu_ref, wls_ref, bls_ref,
                 mu_ref, ls_ref):
    dinv = dinv_ref[...]
    agg = jnp.concatenate([s2_ref[0], s2_ref[1]], axis=1) * dinv[:, None]
    mu_ref[...] = (jnp.dot(agg, wmu_ref[...],
                           preferred_element_type=jnp.float32)
                   + bmu_ref[...][None, :])
    ls_ref[...] = (jnp.dot(agg, wls_ref[...],
                           preferred_element_type=jnp.float32)
                   + bls_ref[...][None, :])


_tc_fin = pl.pallas_call(
    _tc_fin_body,
    out_shape=[
        jax.ShapeDtypeStruct((NP, HALF), jnp.float32),
        jax.ShapeDtypeStruct((NP, HALF), jnp.float32),
    ],
)


def kernel(x, edge_index, W1, b1, Wmu, bmu, Wls, bls):
    ei = edge_index.astype(jnp.int32)
    loop = jnp.arange(N, dtype=jnp.int32)
    row_a = jnp.concatenate([ei[0], loop])
    col_a = jnp.concatenate([ei[1], loop])
    pad = EPT * TILES - row_a.shape[0]
    row_p = jnp.concatenate([row_a, jnp.full((pad,), N, jnp.int32)])
    col_p = jnp.concatenate([col_a, jnp.full((pad,), JUNK, jnp.int32)])
    rowidx = jnp.stack([row_p, row_p + NP]).reshape(2, TILES, CH, CHUNK)
    colidx = col_p.reshape(TILES, CH, CHUNK)
    x_pad = jnp.pad(x, ((0, NP - N), (0, 0)))

    deg = _sc_degree(colidx)
    dinv, xs = _tc_pre(x_pad, deg)
    s1 = _sc_prop(xs.reshape(2 * NP, HALF), rowidx, colidx)
    hs = _tc_mid(s1, dinv, W1, b1)
    s2 = _sc_prop(hs.reshape(2 * NP, HALF), rowidx, colidx)
    mu, ls = _tc_fin(s2, dinv, Wmu, bmu, Wls, bls)
    return mu[:N], ls[:N]

# --- scband reference (transcript-rebuilt; emitter-appended) ---
"""Pipeline reference for scband-variational-encoder-6219112645297 (READ-ONLY COPY).

The authoritative reference and input builder live on the scoring server;
editing this copy changes nothing except your own understanding.
"""

import jax, jax.numpy as jnp
import numpy as np

N_NODES = 10000
N_EDGES = 160000
IN_CH = 256
HID_CH = 256
OUT_CH = 128


def sgconv(x, edge_index, W, b):
    # SGConv with K=1: gcn-normalized propagation followed by a linear layer.
    N = x.shape[0]
    row = edge_index[0]
    col = edge_index[1]
    # add self loops
    loop = jnp.arange(N, dtype=edge_index.dtype)
    row = jnp.concatenate([row, loop])
    col = jnp.concatenate([col, loop])
    ew = jnp.ones(row.shape[0], dtype=x.dtype)
    # symmetric gcn norm: deg computed at dst (col)
    deg = jnp.zeros((N,), dtype=x.dtype).at[col].add(ew)
    dinv = jnp.where(deg > 0, jax.lax.rsqrt(deg), 0.0)
    norm = dinv[row] * ew * dinv[col]
    # gather messages from src, scale, scatter-add into dst
    msg = x[row] * norm[:, None]
    agg = jnp.zeros_like(x).at[col].add(msg)
    # linear after propagation
    return agg @ W + b


def setup_inputs(seed: int = 0) -> dict:
    key = jax.random.key(seed)
    ks = jax.random.split(key, 8)
    x = jax.random.normal(ks[0], (N_NODES, IN_CH), dtype=jnp.float32)
    edge_index = jax.random.randint(ks[1], (2, N_EDGES), 0, N_NODES, dtype=jnp.int64)
    W1 = jax.random.normal(ks[2], (IN_CH, HID_CH), dtype=jnp.float32) * (1.0 / np.sqrt(IN_CH))
    b1 = jnp.zeros((HID_CH,), dtype=jnp.float32)
    Wmu = jax.random.normal(ks[3], (HID_CH, OUT_CH), dtype=jnp.float32) * (1.0 / np.sqrt(HID_CH))
    bmu = jnp.zeros((OUT_CH,), dtype=jnp.float32)
    Wls = jax.random.normal(ks[4], (HID_CH, OUT_CH), dtype=jnp.float32) * (1.0 / np.sqrt(HID_CH))
    bls = jnp.zeros((OUT_CH,), dtype=jnp.float32)
    return {"x": x, "edge_index": edge_index, "W1": W1, "b1": b1, "Wmu": Wmu, "bmu": bmu, "Wls": Wls, "bls": bls}


def reference(x, edge_index, W1, b1, Wmu, bmu, Wls, bls):
    h = jax.nn.relu(sgconv(x, edge_index, W1, b1))
    mu = sgconv(h, edge_index, Wmu, bmu)
    logstd = sgconv(h, edge_index, Wls, bls)
    return (mu, logstd)

if __name__ == "__main__":
    import jax
    _d = setup_inputs()
    print(jax.jit(kernel)(*tuple(_d.values())))

</pallas_src>

<mosaic_0001>
#map = affine_map<(d0, d1) -> (0, 0)>
#map1 = affine_map<(d0, d1) -> (0, 0, 0, 0)>
#map2 = affine_map<(d0, d1) -> (0, 0, 0)>
module attributes {stable_mosaic.version = 14 : i64} {
  func.func @_sc_prop(%arg0: i32, %arg1: i32, %arg2: memref<20480x128xf32, #tpu.memory_space<hbm>>, %arg3: memref<2x16x84x128xi32, #tpu.memory_space<hbm>>, %arg4: memref<16x84x128xi32, #tpu.memory_space<hbm>>, %arg5: memref<2x10240x128xf32, #tpu.memory_space<hbm>>, %arg6: memref<84x128xi32, #tpu.memory_space<vmem>>, %arg7: memref<84x128xi32, #tpu.memory_space<vmem>>, %arg8: memref<128x128xf32, #tpu.memory_space<vmem>>, %arg9: memref<10240x128xf32, #tpu.memory_space<vmem_shared>>, %arg10: memref<!tpu.dma_semaphore, #tpu.memory_space<semaphore_mem>>, %arg11: memref<!tpu.dma_semaphore, #tpu.memory_space<semaphore_mem>>, %arg12: memref<!tpu.dma_semaphore, #tpu.memory_space<semaphore_mem>>) attributes {dimension_semantics = [#tpu.dimension_semantics<core_parallel>, #tpu.dimension_semantics<subcore_parallel>], iteration_bounds = array<i64: 2, 16>, scalar_prefetch = 0 : i64, scratch_operands = 7 : i64, tpu.core_type = #tpu.core_type<sc_vector_subcore>, window_params = [{transform_indices = #map}, {transform_indices = #map1}, {transform_indices = #map2}, {transform_indices = #map2}]} {
    %dma_start3A = arith.constant 0 : i32
    %dma_start3A_0 = arith.constant 0 : i32
    %dma_start3A_1 = tpu.memref_slice %arg3[%arg0, %arg1, %dma_start3A, %dma_start3A_0] : memref<2x16x84x128xi32, #tpu.memory_space<hbm>> -> memref<1x1x84x128xi32, #tpu.memory_space<hbm>>
    %dma_start3A_2 = tpu.memref_squeeze %dma_start3A_1 : memref<1x1x84x128xi32, #tpu.memory_space<hbm>> -> memref<84x128xi32, #tpu.memory_space<hbm>>
    %dma_start3A_3 = arith.constant 0 : i32
    %dma_start3A_4 = arith.constant 0 : i32
    %dma_start3A_5 = tpu.memref_slice %arg3[%arg0, %arg1, %dma_start3A_3, %dma_start3A_4] : memref<2x16x84x128xi32, #tpu.memory_space<hbm>> -> memref<1x1x84x128xi32, #tpu.memory_space<hbm>>
    %dma_start3A_6 = tpu.memref_squeeze %dma_start3A_5 : memref<1x1x84x128xi32, #tpu.memory_space<hbm>> -> memref<84x128xi32, #tpu.memory_space<hbm>>
    tpu.enqueue_dma source(%dma_start3A_6 : memref<84x128xi32, #tpu.memory_space<hbm>>) target(%arg6 : memref<84x128xi32, #tpu.memory_space<vmem>>) target_semaphore(%arg12 : memref<!tpu.dma_semaphore, #tpu.memory_space<semaphore_mem>>)
    %dma_wait3A = arith.constant 0 : i32
    %dma_wait3A_7 = arith.constant 0 : i32
    %dma_wait3A_8 = tpu.memref_slice %arg3[%arg0, %arg1, %dma_wait3A, %dma_wait3A_7] : memref<2x16x84x128xi32, #tpu.memory_space<hbm>> -> memref<1x1x84x128xi32, #tpu.memory_space<hbm>>
    %dma_wait3A_9 = tpu.memref_squeeze %dma_wait3A_8 : memref<1x1x84x128xi32, #tpu.memory_space<hbm>> -> memref<84x128xi32, #tpu.memory_space<hbm>>
    %dma_wait3A_10 = arith.constant 0 : i32
    %dma_wait3A_11 = arith.constant 0 : i32
    %dma_wait3A_12 = tpu.memref_slice %arg3[%arg0, %arg1, %dma_wait3A_10, %dma_wait3A_11] : memref<2x16x84x128xi32, #tpu.memory_space<hbm>> -> memref<1x1x84x128xi32, #tpu.memory_space<hbm>>
    %dma_wait3A_13 = tpu.memref_squeeze %dma_wait3A_12 : memref<1x1x84x128xi32, #tpu.memory_space<hbm>> -> memref<84x128xi32, #tpu.memory_space<hbm>>
    tpu.wait_dma2 semaphore(%arg12 : memref<!tpu.dma_semaphore, #tpu.memory_space<semaphore_mem>>) src(%dma_wait3A_13 : memref<84x128xi32, #tpu.memory_space<hbm>>) dst(%arg6 : memref<84x128xi32, #tpu.memory_space<vmem>>)
    %dma_start3A_14 = arith.constant 0 : i32
    %dma_start3A_15 = arith.constant 0 : i32
    %dma_start3A_16 = tpu.memref_slice %arg4[%arg1, %dma_start3A_14, %dma_start3A_15] : memref<16x84x128xi32, #tpu.memory_space<hbm>> -> memref<1x84x128xi32, #tpu.memory_space<hbm>>
    %dma_start3A_17 = tpu.memref_squeeze %dma_start3A_16 : memref<1x84x128xi32, #tpu.memory_space<hbm>> -> memref<84x128xi32, #tpu.memory_space<hbm>>
    %dma_start3A_18 = arith.constant 0 : i32
    %dma_start3A_19 = arith.constant 0 : i32
    %dma_start3A_20 = tpu.memref_slice %arg4[%arg1, %dma_start3A_18, %dma_start3A_19] : memref<16x84x128xi32, #tpu.memory_space<hbm>> -> memref<1x84x128xi32, #tpu.memory_space<hbm>>
    %dma_start3A_21 = tpu.memref_squeeze %dma_start3A_20 : memref<1x84x128xi32, #tpu.memory_space<hbm>> -> memref<84x128xi32, #tpu.memory_space<hbm>>
    tpu.enqueue_dma source(%dma_start3A_21 : memref<84x128xi32, #tpu.memory_space<hbm>>) target(%arg7 : memref<84x128xi32, #tpu.memory_space<vmem>>) target_semaphore(%arg12 : memref<!tpu.dma_semaphore, #tpu.memory_space<semaphore_mem>>)
    %dma_wait3A_22 = arith.constant 0 : i32
    %dma_wait3A_23 = arith.constant 0 : i32
    %dma_wait3A_24 = tpu.memref_slice %arg4[%arg1, %dma_wait3A_22, %dma_wait3A_23] : memref<16x84x128xi32, #tpu.memory_space<hbm>> -> memref<1x84x128xi32, #tpu.memory_space<hbm>>
    %dma_wait3A_25 = tpu.memref_squeeze %dma_wait3A_24 : memref<1x84x128xi32, #tpu.memory_space<hbm>> -> memref<84x128xi32, #tpu.memory_space<hbm>>
    %dma_wait3A_26 = arith.constant 0 : i32
    %dma_wait3A_27 = arith.constant 0 : i32
    %dma_wait3A_28 = tpu.memref_slice %arg4[%arg1, %dma_wait3A_26, %dma_wait3A_27] : memref<16x84x128xi32, #tpu.memory_space<hbm>> -> memref<1x84x128xi32, #tpu.memory_space<hbm>>
    %dma_wait3A_29 = tpu.memref_squeeze %dma_wait3A_28 : memref<1x84x128xi32, #tpu.memory_space<hbm>> -> memref<84x128xi32, #tpu.memory_space<hbm>>
    tpu.wait_dma2 semaphore(%arg12 : memref<!tpu.dma_semaphore, #tpu.memory_space<semaphore_mem>>) src(%dma_wait3A_29 : memref<84x128xi32, #tpu.memory_space<hbm>>) dst(%arg7 : memref<84x128xi32, #tpu.memory_space<vmem>>)
    %scan3A = arith.constant 0 : i32
    %scan3A_30 = arith.constant 128 : i32
    %scan3A_31 = arith.addi %scan3A, %scan3A_30 : i32
    %scan3A_32 = arith.constant 1 : i32
    scf.for %scan3A_62 = %scan3A to %scan3A_31 step %scan3A_32  : i32 {
      %mul3A_63 = arith.constant 1 : i32
      %mul3A_64 = arith.muli %scan3A_62, %mul3A_63 : i32
      %add3A_65 = arith.constant 0 : i32
      %add3A_66 = arith.addi %add3A_65, %mul3A_64 : i32
      %broadcast_in_dim3A = arith.constant 0.000000e+00 : f32
      %broadcast_in_dim3A_67 = vector.broadcast %broadcast_in_dim3A : f32 to vector<16xf32>
      %swap3A = arith.index_cast %add3A_66 : i32 to index
      %swap3A_68 = arith.constant 0 : index
      %swap3A_69 = tpu.vector_load %arg8[%swap3A, %swap3A_68] {strides = array<i32>} : memref<128x128xf32, #tpu.memory_space<vmem>>, vector<1x16xf32>,
      %swap3A_70 = vector.shape_cast %swap3A_69 : vector<1x16xf32> to vector<16xf32>
      %swap3A_71 = vector.shape_cast %broadcast_in_dim3A_67 : vector<16xf32> to vector<1x16xf32>
      tpu.vector_store %arg8[%swap3A, %swap3A_68], %swap3A_71 {strides = array<i32>} : memref<128x128xf32, #tpu.memory_space<vmem>>, vector<1x16xf32>,
      %broadcast_in_dim3A_72 = arith.constant 0.000000e+00 : f32
      %broadcast_in_dim3A_73 = vector.broadcast %broadcast_in_dim3A_72 : f32 to vector<16xf32>
      %swap3A_74 = arith.index_cast %add3A_66 : i32 to index
      %swap3A_75 = arith.constant 16 : index
      %swap3A_76 = tpu.vector_load %arg8[%swap3A_74, %swap3A_75] {strides = array<i32>} : memref<128x128xf32, #tpu.memory_space<vmem>>, vector<1x16xf32>,
      %swap3A_77 = vector.shape_cast %swap3A_76 : vector<1x16xf32> to vector<16xf32>
      %swap3A_78 = vector.shape_cast %broadcast_in_dim3A_73 : vector<16xf32> to vector<1x16xf32>
      tpu.vector_store %arg8[%swap3A_74, %swap3A_75], %swap3A_78 {strides = array<i32>} : memref<128x128xf32, #tpu.memory_space<vmem>>, vector<1x16xf32>,
      %broadcast_in_dim3A_79 = arith.constant 0.000000e+00 : f32
      %broadcast_in_dim3A_80 = vector.broadcast %broadcast_in_dim3A_79 : f32 to vector<16xf32>
      %swap3A_81 = arith.index_cast %add3A_66 : i32 to index
      %swap3A_82 = arith.constant 32 : index
      %swap3A_83 = tpu.vector_load %arg8[%swap3A_81, %swap3A_82] {strides = array<i32>} : memref<128x128xf32, #tpu.memory_space<vmem>>, vector<1x16xf32>,
      %swap3A_84 = vector.shape_cast %swap3A_83 : vector<1x16xf32> to vector<16xf32>
      %swap3A_85 = vector.shape_cast %broadcast_in_dim3A_80 : vector<16xf32> to vector<1x16xf32>
      tpu.vector_store %arg8[%swap3A_81, %swap3A_82], %swap3A_85 {strides = array<i32>} : memref<128x128xf32, #tpu.memory_space<vmem>>, vector<1x16xf32>,
      %broadcast_in_dim3A_86 = arith.constant 0.000000e+00 : f32
      %broadcast_in_dim3A_87 = vector.broadcast %broadcast_in_dim3A_86 : f32 to vector<16xf32>
      %swap3A_88 = arith.index_cast %add3A_66 : i32 to index
      %swap3A_89 = arith.constant 48 : index
      %swap3A_90 = tpu.vector_load %arg8[%swap3A_88, %swap3A_89] {strides = array<i32>} : memref<128x128xf32, #tpu.memory_space<vmem>>, vector<1x16xf32>,
      %swap3A_91 = vector.shape_cast %swap3A_90 : vector<1x16xf32> to vector<16xf32>
      %swap3A_92 = vector.shape_cast %broadcast_in_dim3A_87 : vector<16xf32> to vector<1x16xf32>
      tpu.vector_store %arg8[%swap3A_88, %swap3A_89], %swap3A_92 {strides = array<i32>} : memref<128x128xf32, #tpu.memory_space<vmem>>, vector<1x16xf32>,
      %broadcast_in_dim3A_93 = arith.constant 0.000000e+00 : f32
      %broadcast_in_dim3A_94 = vector.broadcast %broadcast_in_dim3A_93 : f32 to vector<16xf32>
      %swap3A_95 = arith.index_cast %add3A_66 : i32 to index
      %swap3A_96 = arith.constant 64 : index
      %swap3A_97 = tpu.vector_load %arg8[%swap3A_95, %swap3A_96] {strides = array<i32>} : memref<128x128xf32, #tpu.memory_space<vmem>>, vector<1x16xf32>,
      %swap3A_98 = vector.shape_cast %swap3A_97 : vector<1x16xf32> to vector<16xf32>
      %swap3A_99 = vector.shape_cast %broadcast_in_dim3A_94 : vector<16xf32> to vector<1x16xf32>
      tpu.vector_store %arg8[%swap3A_95, %swap3A_96], %swap3A_99 {strides = array<i32>} : memref<128x128xf32, #tpu.memory_space<vmem>>, vector<1x16xf32>,
      %broadcast_in_dim3A_100 = arith.constant 0.000000e+00 : f32
      %broadcast_in_dim3A_101 = vector.broadcast %broadcast_in_dim3A_100 : f32 to vector<16xf32>
      %swap3A_102 = arith.index_cast %add3A_66 : i32 to index
      %swap3A_103 = arith.constant 80 : index
      %swap3A_104 = tpu.vector_load %arg8[%swap3A_102, %swap3A_103] {strides = array<i32>} : memref<128x128xf32, #tpu.memory_space<vmem>>, vector<1x16xf32>,
      %swap3A_105 = vector.shape_cast %swap3A_104 : vector<1x16xf32> to vector<16xf32>
      %swap3A_106 = vector.shape_cast %broadcast_in_dim3A_101 : vector<16xf32> to vector<1x16xf32>
      tpu.vector_store %arg8[%swap3A_102, %swap3A_103], %swap3A_106 {strides = array<i32>} : memref<128x128xf32, #tpu.memory_space<vmem>>, vector<1x16xf32>,
      %broadcast_in_dim3A_107 = arith.constant 0.000000e+00 : f32
      %broadcast_in_dim3A_108 = vector.broadcast %broadcast_in_dim3A_107 : f32 to vector<16xf32>
      %swap3A_109 = arith.index_cast %add3A_66 : i32 to index
      %swap3A_110 = arith.constant 96 : index
      %swap3A_111 = tpu.vector_load %arg8[%swap3A_109, %swap3A_110] {strides = array<i32>} : memref<128x128xf32, #tpu.memory_space<vmem>>, vector<1x16xf32>,
      %swap3A_112 = vector.shape_cast %swap3A_111 : vector<1x16xf32> to vector<16xf32>
      %swap3A_113 = vector.shape_cast %broadcast_in_dim3A_108 : vector<16xf32> to vector<1x16xf32>
      tpu.vector_store %arg8[%swap3A_109, %swap3A_110], %swap3A_113 {strides = array<i32>} : memref<128x128xf32, #tpu.memory_space<vmem>>, vector<1x16xf32>,
      %broadcast_in_dim3A_114 = arith.constant 0.000000e+00 : f32
      %broadcast_in_dim3A_115 = vector.broadcast %broadcast_in_dim3A_114 : f32 to vector<16xf32>
      %swap3A_116 = arith.index_cast %add3A_66 : i32 to index
      %swap3A_117 = arith.constant 112 : index
      %swap3A_118 = tpu.vector_load %arg8[%swap3A_116, %swap3A_117] {strides = array<i32>} : memref<128x128xf32, #tpu.memory_space<vmem>>, vector<1x16xf32>,
      %swap3A_119 = vector.shape_cast %swap3A_118 : vector<1x16xf32> to vector<16xf32>
      %swap3A_120 = vector.shape_cast %broadcast_in_dim3A_115 : vector<16xf32> to vector<1x16xf32>
      tpu.vector_store %arg8[%swap3A_116, %swap3A_117], %swap3A_120 {strides = array<i32>} : memref<128x128xf32, #tpu.memory_space<vmem>>, vector<1x16xf32>,
    }
    %scan3A_33 = arith.constant 128 : i32
    %mul3A = arith.constant 640 : i32
    %mul3A_34 = arith.muli %arg1, %mul3A : i32
    %add3A = arith.constant 0 : i32
    %add3A_35 = arith.addi %mul3A_34, %add3A : i32
    "tpu.region"() ({
      %run_scoped3A = tpu.sem_alloc : memref<!tpu.dma_semaphore, #tpu.memory_space<semaphore_mem>>
      %dma_start3A_62 = arith.constant 0 : i32
      %dma_start3A_63 = tpu.memref_slice %arg9[%add3A_35, %dma_start3A_62] : memref<10240x128xf32, #tpu.memory_space<vmem_shared>> -> memref<128x128xf32, #tpu.memory_space<vmem_shared>>
      %dma_start3A_64 = arith.constant 0 : i32
      %dma_start3A_65 = tpu.memref_slice %arg9[%add3A_35, %dma_start3A_64] : memref<10240x128xf32, #tpu.memory_space<vmem_shared>> -> memref<128x128xf32, #tpu.memory_space<vmem_shared>>
      tpu.enqueue_dma source(%arg8 : memref<128x128xf32, #tpu.memory_space<vmem>>) target(%dma_start3A_65 : memref<128x128xf32, #tpu.memory_space<vmem_shared>>) target_semaphore(%run_scoped3A : memref<!tpu.dma_semaphore, #tpu.memory_space<semaphore_mem>>)
      %dma_wait3A_66 = arith.constant 0 : i32
      %dma_wait3A_67 = tpu.memref_slice %arg9[%add3A_35, %dma_wait3A_66] : memref<10240x128xf32, #tpu.memory_space<vmem_shared>> -> memref<128x128xf32, #tpu.memory_space<vmem_shared>>
      %dma_wait3A_68 = arith.constant 0 : i32
      %dma_wait3A_69 = tpu.memref_slice %arg9[%add3A_35, %dma_wait3A_68] : memref<10240x128xf32, #tpu.memory_space<vmem_shared>> -> memref<128x128xf32, #tpu.memory_space<vmem_shared>>
      tpu.wait_dma2 semaphore(%run_scoped3A : memref<!tpu.dma_semaphore, #tpu.memory_space<semaphore_mem>>) src(%arg8 : memref<128x128xf32, #tpu.memory_space<vmem>>) dst(%dma_wait3A_69 : memref<128x128xf32, #tpu.memory_space<vmem_shared>>)
      tpu.yield
    }) : () -> ()
    %mul3A_36 = arith.constant 640 : i32
    %mul3A_37 = arith.muli %arg1, %mul3A_36 : i32
    %add3A_38 = arith.constant 128 : i32
    %add3A_39 = arith.addi %mul3A_37, %add3A_38 : i32
    "tpu.region"() ({
      %run_scoped3A = tpu.sem_alloc : memref<!tpu.dma_semaphore, #tpu.memory_space<semaphore_mem>>
      %dma_start3A_62 = arith.constant 0 : i32
      %dma_start3A_63 = tpu.memref_slice %arg9[%add3A_39, %dma_start3A_62] : memref<10240x128xf32, #tpu.memory_space<vmem_shared>> -> memref<128x128xf32, #tpu.memory_space<vmem_shared>>
      %dma_start3A_64 = arith.constant 0 : i32
      %dma_start3A_65 = tpu.memref_slice %arg9[%add3A_39, %dma_start3A_64] : memref<10240x128xf32, #tpu.memory_space<vmem_shared>> -> memref<128x128xf32, #tpu.memory_space<vmem_shared>>
      tpu.enqueue_dma source(%arg8 : memref<128x128xf32, #tpu.memory_space<vmem>>) target(%dma_start3A_65 : memref<128x128xf32, #tpu.memory_space<vmem_shared>>) target_semaphore(%run_scoped3A : memref<!tpu.dma_semaphore, #tpu.memory_space<semaphore_mem>>)
      %dma_wait3A_66 = arith.constant 0 : i32
      %dma_wait3A_67 = tpu.memref_slice %arg9[%add3A_39, %dma_wait3A_66] : memref<10240x128xf32, #tpu.memory_space<vmem_shared>> -> memref<128x128xf32, #tpu.memory_space<vmem_shared>>
      %dma_wait3A_68 = arith.constant 0 : i32
      %dma_wait3A_69 = tpu.memref_slice %arg9[%add3A_39, %dma_wait3A_68] : memref<10240x128xf32, #tpu.memory_space<vmem_shared>> -> memref<128x128xf32, #tpu.memory_space<vmem_shared>>
      tpu.wait_dma2 semaphore(%run_scoped3A : memref<!tpu.dma_semaphore, #tpu.memory_space<semaphore_mem>>) src(%arg8 : memref<128x128xf32, #tpu.memory_space<vmem>>) dst(%dma_wait3A_69 : memref<128x128xf32, #tpu.memory_space<vmem_shared>>)
      tpu.yield
    }) : () -> ()
    %mul3A_40 = arith.constant 640 : i32
    %mul3A_41 = arith.muli %arg1, %mul3A_40 : i32
    %add3A_42 = arith.constant 256 : i32
    %add3A_43 = arith.addi %mul3A_41, %add3A_42 : i32
    "tpu.region"() ({
      %run_scoped3A = tpu.sem_alloc : memref<!tpu.dma_semaphore, #tpu.memory_space<semaphore_mem>>
      %dma_start3A_62 = arith.constant 0 : i32
      %dma_start3A_63 = tpu.memref_slice %arg9[%add3A_43, %dma_start3A_62] : memref<10240x128xf32, #tpu.memory_space<vmem_shared>> -> memref<128x128xf32, #tpu.memory_space<vmem_shared>>
      %dma_start3A_64 = arith.constant 0 : i32
      %dma_start3A_65 = tpu.memref_slice %arg9[%add3A_43, %dma_start3A_64] : memref<10240x128xf32, #tpu.memory_space<vmem_shared>> -> memref<128x128xf32, #tpu.memory_space<vmem_shared>>
      tpu.enqueue_dma source(%arg8 : memref<128x128xf32, #tpu.memory_space<vmem>>) target(%dma_start3A_65 : memref<128x128xf32, #tpu.memory_space<vmem_shared>>) target_semaphore(%run_scoped3A : memref<!tpu.dma_semaphore, #tpu.memory_space<semaphore_mem>>)
      %dma_wait3A_66 = arith.constant 0 : i32
      %dma_wait3A_67 = tpu.memref_slice %arg9[%add3A_43, %dma_wait3A_66] : memref<10240x128xf32, #tpu.memory_space<vmem_shared>> -> memref<128x128xf32, #tpu.memory_space<vmem_shared>>
      %dma_wait3A_68 = arith.constant 0 : i32
      %dma_wait3A_69 = tpu.memref_slice %arg9[%add3A_43, %dma_wait3A_68] : memref<10240x128xf32, #tpu.memory_space<vmem_shared>> -> memref<128x128xf32, #tpu.memory_space<vmem_shared>>
      tpu.wait_dma2 semaphore(%run_scoped3A : memref<!tpu.dma_semaphore, #tpu.memory_space<semaphore_mem>>) src(%arg8 : memref<128x128xf32, #tpu.memory_space<vmem>>) dst(%dma_wait3A_69 : memref<128x128xf32, #tpu.memory_space<vmem_shared>>)
      tpu.yield
    }) : () -> ()
    %mul3A_44 = arith.constant 640 : i32
    %mul3A_45 = arith.muli %arg1, %mul3A_44 : i32
    %add3A_46 = arith.constant 384 : i32
    %add3A_47 = arith.addi %mul3A_45, %add3A_46 : i32
    "tpu.region"() ({
      %run_scoped3A = tpu.sem_alloc : memref<!tpu.dma_semaphore, #tpu.memory_space<semaphore_mem>>
      %dma_start3A_62 = arith.constant 0 : i32
      %dma_start3A_63 = tpu.memref_slice %arg9[%add3A_47, %dma_start3A_62] : memref<10240x128xf32, #tpu.memory_space<vmem_shared>> -> memref<128x128xf32, #tpu.memory_space<vmem_shared>>
      %dma_start3A_64 = arith.constant 0 : i32
      %dma_start3A_65 = tpu.memref_slice %arg9[%add3A_47, %dma_start3A_64] : memref<10240x128xf32, #tpu.memory_space<vmem_shared>> -> memref<128x128xf32, #tpu.memory_space<vmem_shared>>
      tpu.enqueue_dma source(%arg8 : memref<128x128xf32, #tpu.memory_space<vmem>>) target(%dma_start3A_65 : memref<128x128xf32, #tpu.memory_space<vmem_shared>>) target_semaphore(%run_scoped3A : memref<!tpu.dma_semaphore, #tpu.memory_space<semaphore_mem>>)
      %dma_wait3A_66 = arith.constant 0 : i32
      %dma_wait3A_67 = tpu.memref_slice %arg9[%add3A_47, %dma_wait3A_66] : memref<10240x128xf32, #tpu.memory_space<vmem_shared>> -> memref<128x128xf32, #tpu.memory_space<vmem_shared>>
      %dma_wait3A_68 = arith.constant 0 : i32
      %dma_wait3A_69 = tpu.memref_slice %arg9[%add3A_47, %dma_wait3A_68] : memref<10240x128xf32, #tpu.memory_space<vmem_shared>> -> memref<128x128xf32, #tpu.memory_space<vmem_shared>>
      tpu.wait_dma2 semaphore(%run_scoped3A : memref<!tpu.dma_semaphore, #tpu.memory_space<semaphore_mem>>) src(%arg8 : memref<128x128xf32, #tpu.memory_space<vmem>>) dst(%dma_wait3A_69 : memref<128x128xf32, #tpu.memory_space<vmem_shared>>)
      tpu.yield
    }) : () -> ()
    %mul3A_48 = arith.constant 640 : i32
    %mul3A_49 = arith.muli %arg1, %mul3A_48 : i32
    %add3A_50 = arith.constant 512 : i32
    %add3A_51 = arith.addi %mul3A_49, %add3A_50 : i32
    "tpu.region"() ({
      %run_scoped3A = tpu.sem_alloc : memref<!tpu.dma_semaphore, #tpu.memory_space<semaphore_mem>>
      %dma_start3A_62 = arith.constant 0 : i32
      %dma_start3A_63 = tpu.memref_slice %arg9[%add3A_51, %dma_start3A_62] : memref<10240x128xf32, #tpu.memory_space<vmem_shared>> -> memref<128x128xf32, #tpu.memory_space<vmem_shared>>
      %dma_start3A_64 = arith.constant 0 : i32
      %dma_start3A_65 = tpu.memref_slice %arg9[%add3A_51, %dma_start3A_64] : memref<10240x128xf32, #tpu.memory_space<vmem_shared>> -> memref<128x128xf32, #tpu.memory_space<vmem_shared>>
      tpu.enqueue_dma source(%arg8 : memref<128x128xf32, #tpu.memory_space<vmem>>) target(%dma_start3A_65 : memref<128x128xf32, #tpu.memory_space<vmem_shared>>) target_semaphore(%run_scoped3A : memref<!tpu.dma_semaphore, #tpu.memory_space<semaphore_mem>>)
      %dma_wait3A_66 = arith.constant 0 : i32
      %dma_wait3A_67 = tpu.memref_slice %arg9[%add3A_51, %dma_wait3A_66] : memref<10240x128xf32, #tpu.memory_space<vmem_shared>> -> memref<128x128xf32, #tpu.memory_space<vmem_shared>>
      %dma_wait3A_68 = arith.constant 0 : i32
      %dma_wait3A_69 = tpu.memref_slice %arg9[%add3A_51, %dma_wait3A_68] : memref<10240x128xf32, #tpu.memory_space<vmem_shared>> -> memref<128x128xf32, #tpu.memory_space<vmem_shared>>
      tpu.wait_dma2 semaphore(%run_scoped3A : memref<!tpu.dma_semaphore, #tpu.memory_space<semaphore_mem>>) src(%arg8 : memref<128x128xf32, #tpu.memory_space<vmem>>) dst(%dma_wait3A_69 : memref<128x128xf32, #tpu.memory_space<vmem_shared>>)
      tpu.yield
    }) : () -> ()
    %barrier3A = arith.constant 0 : index
    tpu.barrier barrier_id(%barrier3A)
    %scan3A_52 = arith.constant 0 : i32
    %scan3A_53 = arith.constant 84 : i32
    %scan3A_54 = arith.addi %scan3A_52, %scan3A_53 : i32
    %scan3A_55 = arith.constant 1 : i32
    scf.for %scan3A_62 = %scan3A_52 to %scan3A_54 step %scan3A_55  : i32 {
      %mul3A_63 = arith.constant 1 : i32
      %mul3A_64 = arith.muli %scan3A_62, %mul3A_63 : i32
      %add3A_65 = arith.constant 0 : i32
      %add3A_66 = arith.addi %add3A_65, %mul3A_64 : i32
      %dma_start3A_67 = arith.constant 0 : i32
      %dma_start3A_68 = tpu.memref_slice %arg6[%add3A_66, %dma_start3A_67] : memref<84x128xi32, #tpu.memory_space<vmem>> -> memref<1x128xi32, #tpu.memory_space<vmem>>
      %dma_start3A_69 = tpu.memref_squeeze %dma_start3A_68 : memref<1x128xi32, #tpu.memory_space<vmem>> -> memref<128xi32, #tpu.memory_space<vmem>>
      %dma_start3A_70 = arith.constant 0 : i32
      %dma_start3A_71 = arith.constant 0 : i32
      %dma_start3A_72 = tpu.memref_slice %arg2[%dma_start3A_70, %dma_start3A_71] : memref<20480x128xf32, #tpu.memory_space<hbm>> -> memref<20480x128xf32, #tpu.memory_space<hbm>>
      tpu.enqueue_indirect_dma source(%dma_start3A_72 : memref<20480x128xf32, #tpu.memory_space<hbm>>) target(%arg8 : memref<128x128xf32, #tpu.memory_space<vmem>>) offsets(%dma_start3A_69 : memref<128xi32, #tpu.memory_space<vmem>>) semaphore(%arg10 : memref<!tpu.dma_semaphore, #tpu.memory_space<semaphore_mem>>)
      %dma_wait3A_73 = arith.constant 0 : i32
      %dma_wait3A_74 = tpu.memref_slice %arg6[%add3A_66, %dma_wait3A_73] : memref<84x128xi32, #tpu.memory_space<vmem>> -> memref<1x128xi32, #tpu.memory_space<vmem>>
      %dma_wait3A_75 = tpu.memref_squeeze %dma_wait3A_74 : memref<1x128xi32, #tpu.memory_space<vmem>> -> memref<128xi32, #tpu.memory_space<vmem>>
      %dma_wait3A_76 = arith.constant 0 : i32
      %dma_wait3A_77 = arith.constant 0 : i32
      %dma_wait3A_78 = tpu.memref_slice %arg2[%dma_wait3A_76, %dma_wait3A_77] : memref<20480x128xf32, #tpu.memory_space<hbm>> -> memref<20480x128xf32, #tpu.memory_space<hbm>>
      tpu.wait_indirect_dma semaphore(%arg10 : memref<!tpu.dma_semaphore, #tpu.memory_space<semaphore_mem>>) src(%dma_wait3A_78 : memref<20480x128xf32, #tpu.memory_space<hbm>>) dst(%arg8 : memref<128x128xf32, #tpu.memory_space<vmem>>)
      %dma_start3A_79 = arith.constant 0 : i32
      %dma_start3A_80 = tpu.memref_slice %arg7[%add3A_66, %dma_start3A_79] : memref<84x128xi32, #tpu.memory_space<vmem>> -> memref<1x128xi32, #tpu.memory_space<vmem>>
      %dma_start3A_81 = tpu.memref_squeeze %dma_start3A_80 : memref<1x128xi32, #tpu.memory_space<vmem>> -> memref<128xi32, #tpu.memory_space<vmem>>
      %dma_start3A_82 = arith.constant 0 : i32
      %dma_start3A_83 = arith.constant 0 : i32
      %dma_start3A_84 = tpu.memref_slice %arg9[%dma_start3A_82, %dma_start3A_83] : memref<10240x128xf32, #tpu.memory_space<vmem_shared>> -> memref<10240x128xf32, #tpu.memory_space<vmem_shared>>
      tpu.enqueue_indirect_dma source(%arg8 : memref<128x128xf32, #tpu.memory_space<vmem>>) target(%dma_start3A_84 : memref<10240x128xf32, #tpu.memory_space<vmem_shared>>) offsets(%dma_start3A_81 : memref<128xi32, #tpu.memory_space<vmem>>) semaphore(%arg11 : memref<!tpu.dma_semaphore, #tpu.memory_space<semaphore_mem>>) {add = true}
      %dma_wait3A_85 = arith.constant 0 : i32
      %dma_wait3A_86 = tpu.memref_slice %arg7[%add3A_66, %dma_wait3A_85] : memref<84x128xi32, #tpu.memory_space<vmem>> -> memref<1x128xi32, #tpu.memory_space<vmem>>
      %dma_wait3A_87 = tpu.memref_squeeze %dma_wait3A_86 : memref<1x128xi32, #tpu.memory_space<vmem>> -> memref<128xi32, #tpu.memory_space<vmem>>
      %dma_wait3A_88 = arith.constant 0 : i32
      %dma_wait3A_89 = arith.constant 0 : i32
      %dma_wait3A_90 = tpu.memref_slice %arg9[%dma_wait3A_88, %dma_wait3A_89] : memref<10240x128xf32, #tpu.memory_space<vmem_shared>> -> memref<10240x128xf32, #tpu.memory_space<vmem_shared>>
      tpu.wait_indirect_dma semaphore(%arg11 : memref<!tpu.dma_semaphore, #tpu.memory_space<semaphore_mem>>) src(%arg8 : memref<128x128xf32, #tpu.memory_space<vmem>>) dst(%dma_wait3A_90 : memref<10240x128xf32, #tpu.memory_space<vmem_shared>>)
    }
    %scan3A_56 = arith.constant 84 : i32
    %barrier3A_57 = arith.constant 0 : index
    tpu.barrier barrier_id(%barrier3A_57)
    %mul3A_58 = arith.constant 640 : i32
    %mul3A_59 = arith.muli %arg1, %mul3A_58 : i32
    %mul3A_60 = arith.constant 640 : i32
    %mul3A_61 = arith.muli %arg1, %mul3A_60 : i32
    "tpu.region"() ({
      %run_scoped3A = tpu.sem_alloc : memref<!tpu.dma_semaphore, #tpu.memory_space<semaphore_mem>>
      %dma_start3A_62 = arith.constant 0 : i32
      %dma_start3A_63 = tpu.memref_slice %arg5[%arg0, %mul3A_61, %dma_start3A_62] : memref<2x10240x128xf32, #tpu.memory_space<hbm>> -> memref<1x640x128xf32, #tpu.memory_space<hbm>>
      %dma_start3A_64 = tpu.memref_squeeze %dma_start3A_63 : memref<1x640x128xf32, #tpu.memory_space<hbm>> -> memref<640x128xf32, #tpu.memory_space<hbm>>
      %dma_start3A_65 = arith.constant 0 : i32
      %dma_start3A_66 = tpu.memref_slice %arg9[%mul3A_59, %dma_start3A_65] : memref<10240x128xf32, #tpu.memory_space<vmem_shared>> -> memref<640x128xf32, #tpu.memory_space<vmem_shared>>
      tpu.enqueue_dma source(%dma_start3A_66 : memref<640x128xf32, #tpu.memory_space<vmem_shared>>) target(%dma_start3A_64 : memref<640x128xf32, #tpu.memory_space<hbm>>) target_semaphore(%run_scoped3A : memref<!tpu.dma_semaphore, #tpu.memory_space<semaphore_mem>>)
      %dma_wait3A_67 = arith.constant 0 : i32
      %dma_wait3A_68 = tpu.memref_slice %arg5[%arg0, %mul3A_61, %dma_wait3A_67] : memref<2x10240x128xf32, #tpu.memory_space<hbm>> -> memref<1x640x128xf32, #tpu.memory_space<hbm>>
      %dma_wait3A_69 = tpu.memref_squeeze %dma_wait3A_68 : memref<1x640x128xf32, #tpu.memory_space<hbm>> -> memref<640x128xf32, #tpu.memory_space<hbm>>
      %dma_wait3A_70 = arith.constant 0 : i32
      %dma_wait3A_71 = tpu.memref_slice %arg9[%mul3A_59, %dma_wait3A_70] : memref<10240x128xf32, #tpu.memory_space<vmem_shared>> -> memref<640x128xf32, #tpu.memory_space<vmem_shared>>
      tpu.wait_dma2 semaphore(%run_scoped3A : memref<!tpu.dma_semaphore, #tpu.memory_space<semaphore_mem>>) src(%dma_wait3A_71 : memref<640x128xf32, #tpu.memory_space<vmem_shared>>) dst(%dma_wait3A_69 : memref<640x128xf32, #tpu.memory_space<hbm>>)
      tpu.yield
    }) : () -> ()
    return
  }
}

#map = affine_map<(d0, d1) -> (0, 0, 0)>
#map1 = affine_map<(d0, d1) -> (0)>
module attributes {stable_mosaic.version = 14 : i64} {
  func.func @_sc_degree(%arg0: i32, %arg1: i32, %arg2: memref<16x84x128xi32, #tpu.memory_space<hbm>>, %arg3: memref<10240xf32, #tpu.memory_space<hbm>>, %arg4: memref<84x128xi32, #tpu.memory_space<vmem>>, %arg5: memref<128xf32, #tpu.memory_space<vmem>>, %arg6: memref<640xf32, #tpu.memory_space<vmem>>, %arg7: memref<10240xf32, #tpu.memory_space<vmem_shared>>, %arg8: memref<!tpu.dma_semaphore, #tpu.memory_space<semaphore_mem>>) attributes {dimension_semantics = [#tpu.dimension_semantics<core_parallel>, #tpu.dimension_semantics<subcore_parallel>], iteration_bounds = array<i64: 2, 16>, scalar_prefetch = 0 : i64, scratch_operands = 5 : i64, tpu.core_type = #tpu.core_type<sc_vector_subcore>, window_params = [{transform_indices = #map}, {transform_indices = #map1}]} {
    %dma_start3A = arith.constant 0 : i32
    %dma_start3A_0 = arith.constant 0 : i32
    %dma_start3A_1 = tpu.memref_slice %arg2[%arg1, %dma_start3A, %dma_start3A_0] : memref<16x84x128xi32, #tpu.memory_space<hbm>> -> memref<1x84x128xi32, #tpu.memory_space<hbm>>
    %dma_start3A_2 = tpu.memref_squeeze %dma_start3A_1 : memref<1x84x128xi32, #tpu.memory_space<hbm>> -> memref<84x128xi32, #tpu.memory_space<hbm>>
    %dma_start3A_3 = arith.constant 0 : i32
    %dma_start3A_4 = arith.constant 0 : i32
    %dma_start3A_5 = tpu.memref_slice %arg2[%arg1, %dma_start3A_3, %dma_start3A_4] : memref<16x84x128xi32, #tpu.memory_space<hbm>> -> memref<1x84x128xi32, #tpu.memory_space<hbm>>
    %dma_start3A_6 = tpu.memref_squeeze %dma_start3A_5 : memref<1x84x128xi32, #tpu.memory_space<hbm>> -> memref<84x128xi32, #tpu.memory_space<hbm>>
    tpu.enqueue_dma source(%dma_start3A_6 : memref<84x128xi32, #tpu.memory_space<hbm>>) target(%arg4 : memref<84x128xi32, #tpu.memory_space<vmem>>) target_semaphore(%arg8 : memref<!tpu.dma_semaphore, #tpu.memory_space<semaphore_mem>>)
    %dma_wait3A = arith.constant 0 : i32
    %dma_wait3A_7 = arith.constant 0 : i32
    %dma_wait3A_8 = tpu.memref_slice %arg2[%arg1, %dma_wait3A, %dma_wait3A_7] : memref<16x84x128xi32, #tpu.memory_space<hbm>> -> memref<1x84x128xi32, #tpu.memory_space<hbm>>
    %dma_wait3A_9 = tpu.memref_squeeze %dma_wait3A_8 : memref<1x84x128xi32, #tpu.memory_space<hbm>> -> memref<84x128xi32, #tpu.memory_space<hbm>>
    %dma_wait3A_10 = arith.constant 0 : i32
    %dma_wait3A_11 = arith.constant 0 : i32
    %dma_wait3A_12 = tpu.memref_slice %arg2[%arg1, %dma_wait3A_10, %dma_wait3A_11] : memref<16x84x128xi32, #tpu.memory_space<hbm>> -> memref<1x84x128xi32, #tpu.memory_space<hbm>>
    %dma_wait3A_13 = tpu.memref_squeeze %dma_wait3A_12 : memref<1x84x128xi32, #tpu.memory_space<hbm>> -> memref<84x128xi32, #tpu.memory_space<hbm>>
    tpu.wait_dma2 semaphore(%arg8 : memref<!tpu.dma_semaphore, #tpu.memory_space<semaphore_mem>>) src(%dma_wait3A_13 : memref<84x128xi32, #tpu.memory_space<hbm>>) dst(%arg4 : memref<84x128xi32, #tpu.memory_space<vmem>>)
    %broadcast_in_dim3A = arith.constant 1.000000e+00 : f32
    %broadcast_in_dim3A_14 = vector.broadcast %broadcast_in_dim3A : f32 to vector<16xf32>
    %swap3A = arith.constant 0 : index
    %swap3A_15 = tpu.vector_load %arg5[%swap3A] {strides = array<i32>} : memref<128xf32, #tpu.memory_space<vmem>>, vector<16xf32>,
    %swap3A_16 = vector.shape_cast %swap3A_15 : vector<16xf32> to vector<16xf32>
    %swap3A_17 = vector.shape_cast %broadcast_in_dim3A_14 : vector<16xf32> to vector<16xf32>
    tpu.vector_store %arg5[%swap3A], %swap3A_17 {strides = array<i32>} : memref<128xf32, #tpu.memory_space<vmem>>, vector<16xf32>,
    %broadcast_in_dim3A_18 = arith.constant 1.000000e+00 : f32
    %broadcast_in_dim3A_19 = vector.broadcast %broadcast_in_dim3A_18 : f32 to vector<16xf32>
    %swap3A_20 = arith.constant 16 : index
    %swap3A_21 = tpu.vector_load %arg5[%swap3A_20] {strides = array<i32>} : memref<128xf32, #tpu.memory_space<vmem>>, vector<16xf32>,
    %swap3A_22 = vector.shape_cast %swap3A_21 : vector<16xf32> to vector<16xf32>
    %swap3A_23 = vector.shape_cast %broadcast_in_dim3A_19 : vector<16xf32> to vector<16xf32>
    tpu.vector_store %arg5[%swap3A_20], %swap3A_23 {strides = array<i32>} : memref<128xf32, #tpu.memory_space<vmem>>, vector<16xf32>,
    %broadcast_in_dim3A_24 = arith.constant 1.000000e+00 : f32
    %broadcast_in_dim3A_25 = vector.broadcast %broadcast_in_dim3A_24 : f32 to vector<16xf32>
    %swap3A_26 = arith.constant 32 : index
    %swap3A_27 = tpu.vector_load %arg5[%swap3A_26] {strides = array<i32>} : memref<128xf32, #tpu.memory_space<vmem>>, vector<16xf32>,
    %swap3A_28 = vector.shape_cast %swap3A_27 : vector<16xf32> to vector<16xf32>
    %swap3A_29 = vector.shape_cast %broadcast_in_dim3A_25 : vector<16xf32> to vector<16xf32>
    tpu.vector_store %arg5[%swap3A_26], %swap3A_29 {strides = array<i32>} : memref<128xf32, #tpu.memory_space<vmem>>, vector<16xf32>,
    %broadcast_in_dim3A_30 = arith.constant 1.000000e+00 : f32
    %broadcast_in_dim3A_31 = vector.broadcast %broadcast_in_dim3A_30 : f32 to vector<16xf32>
    %swap3A_32 = arith.constant 48 : index
    %swap3A_33 = tpu.vector_load %arg5[%swap3A_32] {strides = array<i32>} : memref<128xf32, #tpu.memory_space<vmem>>, vector<16xf32>,
    %swap3A_34 = vector.shape_cast %swap3A_33 : vector<16xf32> to vector<16xf32>
    %swap3A_35 = vector.shape_cast %broadcast_in_dim3A_31 : vector<16xf32> to vector<16xf32>
    tpu.vector_store %arg5[%swap3A_32], %swap3A_35 {strides = array<i32>} : memref<128xf32, #tpu.memory_space<vmem>>, vector<16xf32>,
    %broadcast_in_dim3A_36 = arith.constant 1.000000e+00 : f32
    %broadcast_in_dim3A_37 = vector.broadcast %broadcast_in_dim3A_36 : f32 to vector<16xf32>
    %swap3A_38 = arith.constant 64 : index
    %swap3A_39 = tpu.vector_load %arg5[%swap3A_38] {strides = array<i32>} : memref<128xf32, #tpu.memory_space<vmem>>, vector<16xf32>,
    %swap3A_40 = vector.shape_cast %swap3A_39 : vector<16xf32> to vector<16xf32>
    %swap3A_41 = vector.shape_cast %broadcast_in_dim3A_37 : vector<16xf32> to vector<16xf32>
    tpu.vector_store %arg5[%swap3A_38], %swap3A_41 {strides = array<i32>} : memref<128xf32, #tpu.memory_space<vmem>>, vector<16xf32>,
    %broadcast_in_dim3A_42 = arith.constant 1.000000e+00 : f32
    %broadcast_in_dim3A_43 = vector.broadcast %broadcast_in_dim3A_42 : f32 to vector<16xf32>
    %swap3A_44 = arith.constant 80 : index
    %swap3A_45 = tpu.vector_load %arg5[%swap3A_44] {strides = array<i32>} : memref<128xf32, #tpu.memory_space<vmem>>, vector<16xf32>,
    %swap3A_46 = vector.shape_cast %swap3A_45 : vector<16xf32> to vector<16xf32>
    %swap3A_47 = vector.shape_cast %broadcast_in_dim3A_43 : vector<16xf32> to vector<16xf32>
    tpu.vector_store %arg5[%swap3A_44], %swap3A_47 {strides = array<i32>} : memref<128xf32, #tpu.memory_space<vmem>>, vector<16xf32>,
    %broadcast_in_dim3A_48 = arith.constant 1.000000e+00 : f32
    %broadcast_in_dim3A_49 = vector.broadcast %broadcast_in_dim3A_48 : f32 to vector<16xf32>
    %swap3A_50 = arith.constant 96 : index
    %swap3A_51 = tpu.vector_load %arg5[%swap3A_50] {strides = array<i32>} : memref<128xf32, #tpu.memory_space<vmem>>, vector<16xf32>,
    %swap3A_52 = vector.shape_cast %swap3A_51 : vector<16xf32> to vector<16xf32>
    %swap3A_53 = vector.shape_cast %broadcast_in_dim3A_49 : vector<16xf32> to vector<16xf32>
    tpu.vector_store %arg5[%swap3A_50], %swap3A_53 {strides = array<i32>} : memref<128xf32, #tpu.memory_space<vmem>>, vector<16xf32>,
    %broadcast_in_dim3A_54 = arith.constant 1.000000e+00 : f32
    %broadcast_in_dim3A_55 = vector.broadcast %broadcast_in_dim3A_54 : f32 to vector<16xf32>
    %swap3A_56 = arith.constant 112 : index
    %swap3A_57 = tpu.vector_load %arg5[%swap3A_56] {strides = array<i32>} : memref<128xf32, #tpu.memory_space<vmem>>, vector<16xf32>,
    %swap3A_58 = vector.shape_cast %swap3A_57 : vector<16xf32> to vector<16xf32>
    %swap3A_59 = vector.shape_cast %broadcast_in_dim3A_55 : vector<16xf32> to vector<16xf32>
    tpu.vector_store %arg5[%swap3A_56], %swap3A_59 {strides = array<i32>} : memref<128xf32, #tpu.memory_space<vmem>>, vector<16xf32>,
    %scan3A = arith.constant 0 : i32
    %scan3A_60 = arith.constant 40 : i32
    %scan3A_61 = arith.addi %scan3A, %scan3A_60 : i32
    %scan3A_62 = arith.constant 1 : i32
    scf.for %scan3A_73 = %scan3A to %scan3A_61 step %scan3A_62  : i32 {
      %mul3A_74 = arith.constant 1 : i32
      %mul3A_75 = arith.muli %scan3A_73, %mul3A_74 : i32
      %add3A = arith.constant 0 : i32
      %add3A_76 = arith.addi %add3A, %mul3A_75 : i32
      %broadcast_in_dim3A_77 = arith.constant 0.000000e+00 : f32
      %broadcast_in_dim3A_78 = vector.broadcast %broadcast_in_dim3A_77 : f32 to vector<16xf32>
      %mul3A_79 = arith.constant 16 : i32
      %mul3A_80 = arith.muli %add3A_76, %mul3A_79 : i32
      %swap3A_81 = arith.index_cast %mul3A_80 : i32 to index
      %swap3A_82 = tpu.vector_load %arg6[%swap3A_81] {strides = array<i32>} : memref<640xf32, #tpu.memory_space<vmem>>, vector<16xf32>,
      %swap3A_83 = vector.shape_cast %swap3A_82 : vector<16xf32> to vector<16xf32>
      %swap3A_84 = vector.shape_cast %broadcast_in_dim3A_78 : vector<16xf32> to vector<16xf32>
      tpu.vector_store %arg6[%swap3A_81], %swap3A_84 {strides = array<i32>} : memref<640xf32, #tpu.memory_space<vmem>>, vector<16xf32>,
    }
    %scan3A_63 = arith.constant 40 : i32
    %mul3A = arith.constant 640 : i32
    %mul3A_64 = arith.muli %arg1, %mul3A : i32
    "tpu.region"() ({
      %run_scoped3A = tpu.sem_alloc : memref<!tpu.dma_semaphore, #tpu.memory_space<semaphore_mem>>
      %dma_start3A_73 = tpu.memref_slice %arg7[%mul3A_64] : memref<10240xf32, #tpu.memory_space<vmem_shared>> -> memref<640xf32, #tpu.memory_space<vmem_shared>>
      %dma_start3A_74 = tpu.memref_slice %arg7[%mul3A_64] : memref<10240xf32, #tpu.memory_space<vmem_shared>> -> memref<640xf32, #tpu.memory_space<vmem_shared>>
      tpu.enqueue_dma source(%arg6 : memref<640xf32, #tpu.memory_space<vmem>>) target(%dma_start3A_74 : memref<640xf32, #tpu.memory_space<vmem_shared>>) target_semaphore(%run_scoped3A : memref<!tpu.dma_semaphore, #tpu.memory_space<semaphore_mem>>)
      %dma_wait3A_75 = tpu.memref_slice %arg7[%mul3A_64] : memref<10240xf32, #tpu.memory_space<vmem_shared>> -> memref<640xf32, #tpu.memory_space<vmem_shared>>
      %dma_wait3A_76 = tpu.memref_slice %arg7[%mul3A_64] : memref<10240xf32, #tpu.memory_space<vmem_shared>> -> memref<640xf32, #tpu.memory_space<vmem_shared>>
      tpu.wait_dma2 semaphore(%run_scoped3A : memref<!tpu.dma_semaphore, #tpu.memory_space<semaphore_mem>>) src(%arg6 : memref<640xf32, #tpu.memory_space<vmem>>) dst(%dma_wait3A_76 : memref<640xf32, #tpu.memory_space<vmem_shared>>)
      tpu.yield
    }) : () -> ()
    %barrier3A = arith.constant 0 : index
    tpu.barrier barrier_id(%barrier3A)
    %scan3A_65 = arith.constant 0 : i32
    %scan3A_66 = arith.constant 84 : i32
    %scan3A_67 = arith.addi %scan3A_65, %scan3A_66 : i32
    %scan3A_68 = arith.constant 1 : i32
    scf.for %scan3A_73 = %scan3A_65 to %scan3A_67 step %scan3A_68  : i32 {
      %mul3A_74 = arith.constant 1 : i32
      %mul3A_75 = arith.muli %scan3A_73, %mul3A_74 : i32
      %add3A = arith.constant 0 : i32
      %add3A_76 = arith.addi %add3A, %mul3A_75 : i32
      "tpu.region"() ({
        %run_scoped3A = tpu.sem_alloc : memref<!tpu.dma_semaphore, #tpu.memory_space<semaphore_mem>>
        %dma_start3A_77 = arith.constant 0 : i32
        %dma_start3A_78 = tpu.memref_slice %arg4[%add3A_76, %dma_start3A_77] : memref<84x128xi32, #tpu.memory_space<vmem>> -> memref<1x128xi32, #tpu.memory_space<vmem>>
        %dma_start3A_79 = tpu.memref_squeeze %dma_start3A_78 : memref<1x128xi32, #tpu.memory_space<vmem>> -> memref<128xi32, #tpu.memory_space<vmem>>
        %dma_start3A_80 = arith.constant 0 : i32
        %dma_start3A_81 = tpu.memref_slice %arg7[%dma_start3A_80] : memref<10240xf32, #tpu.memory_space<vmem_shared>> -> memref<10240xf32, #tpu.memory_space<vmem_shared>>
        tpu.enqueue_indirect_dma source(%arg5 : memref<128xf32, #tpu.memory_space<vmem>>) target(%dma_start3A_81 : memref<10240xf32, #tpu.memory_space<vmem_shared>>) offsets(%dma_start3A_79 : memref<128xi32, #tpu.memory_space<vmem>>) semaphore(%run_scoped3A : memref<!tpu.dma_semaphore, #tpu.memory_space<semaphore_mem>>) {add = true}
        %dma_wait3A_82 = arith.constant 0 : i32
        %dma_wait3A_83 = tpu.memref_slice %arg4[%add3A_76, %dma_wait3A_82] : memref<84x128xi32, #tpu.memory_space<vmem>> -> memref<1x128xi32, #tpu.memory_space<vmem>>
        %dma_wait3A_84 = tpu.memref_squeeze %dma_wait3A_83 : memref<1x128xi32, #tpu.memory_space<vmem>> -> memref<128xi32, #tpu.memory_space<vmem>>
        %dma_wait3A_85 = arith.constant 0 : i32
        %dma_wait3A_86 = tpu.memref_slice %arg7[%dma_wait3A_85] : memref<10240xf32, #tpu.memory_space<vmem_shared>> -> memref<10240xf32, #tpu.memory_space<vmem_shared>>
        tpu.wait_indirect_dma semaphore(%run_scoped3A : memref<!tpu.dma_semaphore, #tpu.memory_space<semaphore_mem>>) src(%arg5 : memref<128xf32, #tpu.memory_space<vmem>>) dst(%dma_wait3A_86 : memref<10240xf32, #tpu.memory_space<vmem_shared>>)
        tpu.yield
      }) : () -> ()
    }
    %scan3A_69 = arith.constant 84 : i32
    %barrier3A_70 = arith.constant 0 : index
    tpu.barrier barrier_id(%barrier3A_70)
    %eq3A = arith.constant 0 : i32
    %eq3A_71 = arith.cmpi eq, %arg0, %eq3A : i32
    %convert_element_type3A = arith.extui %eq3A_71 : i1 to i32
    %cond3A = arith.constant 0 : i32
    %cond3A_72 = arith.cmpi ne, %convert_element_type3A, %cond3A : i32
    scf.if %cond3A_72 {
      %mul3A_73 = arith.constant 640 : i32
      %mul3A_74 = arith.muli %arg1, %mul3A_73 : i32
      %mul3A_75 = arith.constant 640 : i32
      %mul3A_76 = arith.muli %arg1, %mul3A_75 : i32
      "tpu.region"() ({
        %run_scoped3A = tpu.sem_alloc : memref<!tpu.dma_semaphore, #tpu.memory_space<semaphore_mem>>
        %dma_start3A_77 = tpu.memref_slice %arg3[%mul3A_76] : memref<10240xf32, #tpu.memory_space<hbm>> -> memref<640xf32, #tpu.memory_space<hbm>>
        %dma_start3A_78 = tpu.memref_slice %arg7[%mul3A_74] : memref<10240xf32, #tpu.memory_space<vmem_shared>> -> memref<640xf32, #tpu.memory_space<vmem_shared>>
        tpu.enqueue_dma source(%dma_start3A_78 : memref<640xf32, #tpu.memory_space<vmem_shared>>) target(%dma_start3A_77 : memref<640xf32, #tpu.memory_space<hbm>>) target_semaphore(%run_scoped3A : memref<!tpu.dma_semaphore, #tpu.memory_space<semaphore_mem>>)
        %dma_wait3A_79 = tpu.memref_slice %arg3[%mul3A_76] : memref<10240xf32, #tpu.memory_space<hbm>> -> memref<640xf32, #tpu.memory_space<hbm>>
        %dma_wait3A_80 = tpu.memref_slice %arg7[%mul3A_74] : memref<10240xf32, #tpu.memory_space<vmem_shared>> -> memref<640xf32, #tpu.memory_space<vmem_shared>>
        tpu.wait_dma2 semaphore(%run_scoped3A : memref<!tpu.dma_semaphore, #tpu.memory_space<semaphore_mem>>) src(%dma_wait3A_80 : memref<640xf32, #tpu.memory_space<vmem_shared>>) dst(%dma_wait3A_79 : memref<640xf32, #tpu.memory_space<hbm>>)
        tpu.yield
      }) : () -> ()
    } else {
    }
    return
  }
}

#map = affine_map<(d0, d1) -> (0, 0)>
#map1 = affine_map<(d0, d1) -> (0, 0, 0, 0)>
#map2 = affine_map<(d0, d1) -> (0, 0, 0)>
module attributes {stable_mosaic.version = 14 : i64} {
  func.func @_sc_prop(%arg0: i32, %arg1: i32, %arg2: memref<20480x128xf32, #tpu.memory_space<hbm>>, %arg3: memref<2x16x84x128xi32, #tpu.memory_space<hbm>>, %arg4: memref<16x84x128xi32, #tpu.memory_space<hbm>>, %arg5: memref<2x10240x128xf32, #tpu.memory_space<hbm>>, %arg6: memref<84x128xi32, #tpu.memory_space<vmem>>, %arg7: memref<84x128xi32, #tpu.memory_space<vmem>>, %arg8: memref<128x128xf32, #tpu.memory_space<vmem>>, %arg9: memref<10240x128xf32, #tpu.memory_space<vmem_shared>>, %arg10: memref<!tpu.dma_semaphore, #tpu.memory_space<semaphore_mem>>, %arg11: memref<!tpu.dma_semaphore, #tpu.memory_space<semaphore_mem>>, %arg12: memref<!tpu.dma_semaphore, #tpu.memory_space<semaphore_mem>>) attributes {dimension_semantics = [#tpu.dimension_semantics<core_parallel>, #tpu.dimension_semantics<subcore_parallel>], iteration_bounds = array<i64: 2, 16>, scalar_prefetch = 0 : i64, scratch_operands = 7 : i64, tpu.core_type = #tpu.core_type<sc_vector_subcore>, window_params = [{transform_indices = #map}, {transform_indices = #map1}, {transform_indices = #map2}, {transform_indices = #map2}]} {
    %dma_start3A = arith.constant 0 : i32
    %dma_start3A_0 = arith.constant 0 : i32
    %dma_start3A_1 = tpu.memref_slice %arg3[%arg0, %arg1, %dma_start3A, %dma_start3A_0] : memref<2x16x84x128xi32, #tpu.memory_space<hbm>> -> memref<1x1x84x128xi32, #tpu.memory_space<hbm>>
    %dma_start3A_2 = tpu.memref_squeeze %dma_start3A_1 : memref<1x1x84x128xi32, #tpu.memory_space<hbm>> -> memref<84x128xi32, #tpu.memory_space<hbm>>
    %dma_start3A_3 = arith.constant 0 : i32
    %dma_start3A_4 = arith.constant 0 : i32
    %dma_start3A_5 = tpu.memref_slice %arg3[%arg0, %arg1, %dma_start3A_3, %dma_start3A_4] : memref<2x16x84x128xi32, #tpu.memory_space<hbm>> -> memref<1x1x84x128xi32, #tpu.memory_space<hbm>>
    %dma_start3A_6 = tpu.memref_squeeze %dma_start3A_5 : memref<1x1x84x128xi32, #tpu.memory_space<hbm>> -> memref<84x128xi32, #tpu.memory_space<hbm>>
    tpu.enqueue_dma source(%dma_start3A_6 : memref<84x128xi32, #tpu.memory_space<hbm>>) target(%arg6 : memref<84x128xi32, #tpu.memory_space<vmem>>) target_semaphore(%arg12 : memref<!tpu.dma_semaphore, #tpu.memory_space<semaphore_mem>>)
    %dma_wait3A = arith.constant 0 : i32
    %dma_wait3A_7 = arith.constant 0 : i32
    %dma_wait3A_8 = tpu.memref_slice %arg3[%arg0, %arg1, %dma_wait3A, %dma_wait3A_7] : memref<2x16x84x128xi32, #tpu.memory_space<hbm>> -> memref<1x1x84x128xi32, #tpu.memory_space<hbm>>
    %dma_wait3A_9 = tpu.memref_squeeze %dma_wait3A_8 : memref<1x1x84x128xi32, #tpu.memory_space<hbm>> -> memref<84x128xi32, #tpu.memory_space<hbm>>
    %dma_wait3A_10 = arith.constant 0 : i32
    %dma_wait3A_11 = arith.constant 0 : i32
    %dma_wait3A_12 = tpu.memref_slice %arg3[%arg0, %arg1, %dma_wait3A_10, %dma_wait3A_11] : memref<2x16x84x128xi32, #tpu.memory_space<hbm>> -> memref<1x1x84x128xi32, #tpu.memory_space<hbm>>
    %dma_wait3A_13 = tpu.memref_squeeze %dma_wait3A_12 : memref<1x1x84x128xi32, #tpu.memory_space<hbm>> -> memref<84x128xi32, #tpu.memory_space<hbm>>
    tpu.wait_dma2 semaphore(%arg12 : memref<!tpu.dma_semaphore, #tpu.memory_space<semaphore_mem>>) src(%dma_wait3A_13 : memref<84x128xi32, #tpu.memory_space<hbm>>) dst(%arg6 : memref<84x128xi32, #tpu.memory_space<vmem>>)
    %dma_start3A_14 = arith.constant 0 : i32
    %dma_start3A_15 = arith.constant 0 : i32
    %dma_start3A_16 = tpu.memref_slice %arg4[%arg1, %dma_start3A_14, %dma_start3A_15] : memref<16x84x128xi32, #tpu.memory_space<hbm>> -> memref<1x84x128xi32, #tpu.memory_space<hbm>>
    %dma_start3A_17 = tpu.memref_squeeze %dma_start3A_16 : memref<1x84x128xi32, #tpu.memory_space<hbm>> -> memref<84x128xi32, #tpu.memory_space<hbm>>
    %dma_start3A_18 = arith.constant 0 : i32
    %dma_start3A_19 = arith.constant 0 : i32
    %dma_start3A_20 = tpu.memref_slice %arg4[%arg1, %dma_start3A_18, %dma_start3A_19] : memref<16x84x128xi32, #tpu.memory_space<hbm>> -> memref<1x84x128xi32, #tpu.memory_space<hbm>>
    %dma_start3A_21 = tpu.memref_squeeze %dma_start3A_20 : memref<1x84x128xi32, #tpu.memory_space<hbm>> -> memref<84x128xi32, #tpu.memory_space<hbm>>
    tpu.enqueue_dma source(%dma_start3A_21 : memref<84x128xi32, #tpu.memory_space<hbm>>) target(%arg7 : memref<84x128xi32, #tpu.memory_space<vmem>>) target_semaphore(%arg12 : memref<!tpu.dma_semaphore, #tpu.memory_space<semaphore_mem>>)
    %dma_wait3A_22 = arith.constant 0 : i32
    %dma_wait3A_23 = arith.constant 0 : i32
    %dma_wait3A_24 = tpu.memref_slice %arg4[%arg1, %dma_wait3A_22, %dma_wait3A_23] : memref<16x84x128xi32, #tpu.memory_space<hbm>> -> memref<1x84x128xi32, #tpu.memory_space<hbm>>
    %dma_wait3A_25 = tpu.memref_squeeze %dma_wait3A_24 : memref<1x84x128xi32, #tpu.memory_space<hbm>> -> memref<84x128xi32, #tpu.memory_space<hbm>>
    %dma_wait3A_26 = arith.constant 0 : i32
    %dma_wait3A_27 = arith.constant 0 : i32
    %dma_wait3A_28 = tpu.memref_slice %arg4[%arg1, %dma_wait3A_26, %dma_wait3A_27] : memref<16x84x128xi32, #tpu.memory_space<hbm>> -> memref<1x84x128xi32, #tpu.memory_space<hbm>>
    %dma_wait3A_29 = tpu.memref_squeeze %dma_wait3A_28 : memref<1x84x128xi32, #tpu.memory_space<hbm>> -> memref<84x128xi32, #tpu.memory_space<hbm>>
    tpu.wait_dma2 semaphore(%arg12 : memref<!tpu.dma_semaphore, #tpu.memory_space<semaphore_mem>>) src(%dma_wait3A_29 : memref<84x128xi32, #tpu.memory_space<hbm>>) dst(%arg7 : memref<84x128xi32, #tpu.memory_space<vmem>>)
    %scan3A = arith.constant 0 : i32
    %scan3A_30 = arith.constant 128 : i32
    %scan3A_31 = arith.addi %scan3A, %scan3A_30 : i32
    %scan3A_32 = arith.constant 1 : i32
    scf.for %scan3A_62 = %scan3A to %scan3A_31 step %scan3A_32  : i32 {
      %mul3A_63 = arith.constant 1 : i32
      %mul3A_64 = arith.muli %scan3A_62, %mul3A_63 : i32
      %add3A_65 = arith.constant 0 : i32
      %add3A_66 = arith.addi %add3A_65, %mul3A_64 : i32
      %broadcast_in_dim3A = arith.constant 0.000000e+00 : f32
      %broadcast_in_dim3A_67 = vector.broadcast %broadcast_in_dim3A : f32 to vector<16xf32>
      %swap3A = arith.index_cast %add3A_66 : i32 to index
      %swap3A_68 = arith.constant 0 : index
      %swap3A_69 = tpu.vector_load %arg8[%swap3A, %swap3A_68] {strides = array<i32>} : memref<128x128xf32, #tpu.memory_space<vmem>>, vector<1x16xf32>,
      %swap3A_70 = vector.shape_cast %swap3A_69 : vector<1x16xf32> to vector<16xf32>
      %swap3A_71 = vector.shape_cast %broadcast_in_dim3A_67 : vector<16xf32> to vector<1x16xf32>
      tpu.vector_store %arg8[%swap3A, %swap3A_68], %swap3A_71 {strides = array<i32>} : memref<128x128xf32, #tpu.memory_space<vmem>>, vector<1x16xf32>,
      %broadcast_in_dim3A_72 = arith.constant 0.000000e+00 : f32
      %broadcast_in_dim3A_73 = vector.broadcast %broadcast_in_dim3A_72 : f32 to vector<16xf32>
      %swap3A_74 = arith.index_cast %add3A_66 : i32 to index
      %swap3A_75 = arith.constant 16 : index
      %swap3A_76 = tpu.vector_load %arg8[%swap3A_74, %swap3A_75] {strides = array<i32>} : memref<128x128xf32, #tpu.memory_space<vmem>>, vector<1x16xf32>,
      %swap3A_77 = vector.shape_cast %swap3A_76 : vector<1x16xf32> to vector<16xf32>
      %swap3A_78 = vector.shape_cast %broadcast_in_dim3A_73 : vector<16xf32> to vector<1x16xf32>
      tpu.vector_store %arg8[%swap3A_74, %swap3A_75], %swap3A_78 {strides = array<i32>} : memref<128x128xf32, #tpu.memory_space<vmem>>, vector<1x16xf32>,
      %broadcast_in_dim3A_79 = arith.constant 0.000000e+00 : f32
      %broadcast_in_dim3A_80 = vector.broadcast %broadcast_in_dim3A_79 : f32 to vector<16xf32>
      %swap3A_81 = arith.index_cast %add3A_66 : i32 to index
      %swap3A_82 = arith.constant 32 : index
      %swap3A_83 = tpu.vector_load %arg8[%swap3A_81, %swap3A_82] {strides = array<i32>} : memref<128x128xf32, #tpu.memory_space<vmem>>, vector<1x16xf32>,
      %swap3A_84 = vector.shape_cast %swap3A_83 : vector<1x16xf32> to vector<16xf32>
      %swap3A_85 = vector.shape_cast %broadcast_in_dim3A_80 : vector<16xf32> to vector<1x16xf32>
      tpu.vector_store %arg8[%swap3A_81, %swap3A_82], %swap3A_85 {strides = array<i32>} : memref<128x128xf32, #tpu.memory_space<vmem>>, vector<1x16xf32>,
      %broadcast_in_dim3A_86 = arith.constant 0.000000e+00 : f32
      %broadcast_in_dim3A_87 = vector.broadcast %broadcast_in_dim3A_86 : f32 to vector<16xf32>
      %swap3A_88 = arith.index_cast %add3A_66 : i32 to index
      %swap3A_89 = arith.constant 48 : index
      %swap3A_90 = tpu.vector_load %arg8[%swap3A_88, %swap3A_89] {strides = array<i32>} : memref<128x128xf32, #tpu.memory_space<vmem>>, vector<1x16xf32>,
      %swap3A_91 = vector.shape_cast %swap3A_90 : vector<1x16xf32> to vector<16xf32>
      %swap3A_92 = vector.shape_cast %broadcast_in_dim3A_87 : vector<16xf32> to vector<1x16xf32>
      tpu.vector_store %arg8[%swap3A_88, %swap3A_89], %swap3A_92 {strides = array<i32>} : memref<128x128xf32, #tpu.memory_space<vmem>>, vector<1x16xf32>,
      %broadcast_in_dim3A_93 = arith.constant 0.000000e+00 : f32
      %broadcast_in_dim3A_94 = vector.broadcast %broadcast_in_dim3A_93 : f32 to vector<16xf32>
      %swap3A_95 = arith.index_cast %add3A_66 : i32 to index
      %swap3A_96 = arith.constant 64 : index
      %swap3A_97 = tpu.vector_load %arg8[%swap3A_95, %swap3A_96] {strides = array<i32>} : memref<128x128xf32, #tpu.memory_space<vmem>>, vector<1x16xf32>,
      %swap3A_98 = vector.shape_cast %swap3A_97 : vector<1x16xf32> to vector<16xf32>
      %swap3A_99 = vector.shape_cast %broadcast_in_dim3A_94 : vector<16xf32> to vector<1x16xf32>
      tpu.vector_store %arg8[%swap3A_95, %swap3A_96], %swap3A_99 {strides = array<i32>} : memref<128x128xf32, #tpu.memory_space<vmem>>, vector<1x16xf32>,
      %broadcast_in_dim3A_100 = arith.constant 0.000000e+00 : f32
      %broadcast_in_dim3A_101 = vector.broadcast %broadcast_in_dim3A_100 : f32 to vector<16xf32>
      %swap3A_102 = arith.index_cast %add3A_66 : i32 to index
      %swap3A_103 = arith.constant 80 : index
      %swap3A_104 = tpu.vector_load %arg8[%swap3A_102, %swap3A_103] {strides = array<i32>} : memref<128x128xf32, #tpu.memory_space<vmem>>, vector<1x16xf32>,
      %swap3A_105 = vector.shape_cast %swap3A_104 : vector<1x16xf32> to vector<16xf32>
      %swap3A_106 = vector.shape_cast %broadcast_in_dim3A_101 : vector<16xf32> to vector<1x16xf32>
      tpu.vector_store %arg8[%swap3A_102, %swap3A_103], %swap3A_106 {strides = array<i32>} : memref<128x128xf32, #tpu.memory_space<vmem>>, vector<1x16xf32>,
      %broadcast_in_dim3A_107 = arith.constant 0.000000e+00 : f32
      %broadcast_in_dim3A_108 = vector.broadcast %broadcast_in_dim3A_107 : f32 to vector<16xf32>
      %swap3A_109 = arith.index_cast %add3A_66 : i32 to index
      %swap3A_110 = arith.constant 96 : index
      %swap3A_111 = tpu.vector_load %arg8[%swap3A_109, %swap3A_110] {strides = array<i32>} : memref<128x128xf32, #tpu.memory_space<vmem>>, vector<1x16xf32>,
      %swap3A_112 = vector.shape_cast %swap3A_111 : vector<1x16xf32> to vector<16xf32>
      %swap3A_113 = vector.shape_cast %broadcast_in_dim3A_108 : vector<16xf32> to vector<1x16xf32>
      tpu.vector_store %arg8[%swap3A_109, %swap3A_110], %swap3A_113 {strides = array<i32>} : memref<128x128xf32, #tpu.memory_space<vmem>>, vector<1x16xf32>,
      %broadcast_in_dim3A_114 = arith.constant 0.000000e+00 : f32
      %broadcast_in_dim3A_115 = vector.broadcast %broadcast_in_dim3A_114 : f32 to vector<16xf32>
      %swap3A_116 = arith.index_cast %add3A_66 : i32 to index
      %swap3A_117 = arith.constant 112 : index
      %swap3A_118 = tpu.vector_load %arg8[%swap3A_116, %swap3A_117] {strides = array<i32>} : memref<128x128xf32, #tpu.memory_space<vmem>>, vector<1x16xf32>,
      %swap3A_119 = vector.shape_cast %swap3A_118 : vector<1x16xf32> to vector<16xf32>
      %swap3A_120 = vector.shape_cast %broadcast_in_dim3A_115 : vector<16xf32> to vector<1x16xf32>
      tpu.vector_store %arg8[%swap3A_116, %swap3A_117], %swap3A_120 {strides = array<i32>} : memref<128x128xf32, #tpu.memory_space<vmem>>, vector<1x16xf32>,
    }
    %scan3A_33 = arith.constant 128 : i32
    %mul3A = arith.constant 640 : i32
    %mul3A_34 = arith.muli %arg1, %mul3A : i32
    %add3A = arith.constant 0 : i32
    %add3A_35 = arith.addi %mul3A_34, %add3A : i32
    "tpu.region"() ({
      %run_scoped3A = tpu.sem_alloc : memref<!tpu.dma_semaphore, #tpu.memory_space<semaphore_mem>>
      %dma_start3A_62 = arith.constant 0 : i32
      %dma_start3A_63 = tpu.memref_slice %arg9[%add3A_35, %dma_start3A_62] : memref<10240x128xf32, #tpu.memory_space<vmem_shared>> -> memref<128x128xf32, #tpu.memory_space<vmem_shared>>
      %dma_start3A_64 = arith.constant 0 : i32
      %dma_start3A_65 = tpu.memref_slice %arg9[%add3A_35, %dma_start3A_64] : memref<10240x128xf32, #tpu.memory_space<vmem_shared>> -> memref<128x128xf32, #tpu.memory_space<vmem_shared>>
      tpu.enqueue_dma source(%arg8 : memref<128x128xf32, #tpu.memory_space<vmem>>) target(%dma_start3A_65 : memref<128x128xf32, #tpu.memory_space<vmem_shared>>) target_semaphore(%run_scoped3A : memref<!tpu.dma_semaphore, #tpu.memory_space<semaphore_mem>>)
      %dma_wait3A_66 = arith.constant 0 : i32
      %dma_wait3A_67 = tpu.memref_slice %arg9[%add3A_35, %dma_wait3A_66] : memref<10240x128xf32, #tpu.memory_space<vmem_shared>> -> memref<128x128xf32, #tpu.memory_space<vmem_shared>>
      %dma_wait3A_68 = arith.constant 0 : i32
      %dma_wait3A_69 = tpu.memref_slice %arg9[%add3A_35, %dma_wait3A_68] : memref<10240x128xf32, #tpu.memory_space<vmem_shared>> -> memref<128x128xf32, #tpu.memory_space<vmem_shared>>
      tpu.wait_dma2 semaphore(%run_scoped3A : memref<!tpu.dma_semaphore, #tpu.memory_space<semaphore_mem>>) src(%arg8 : memref<128x128xf32, #tpu.memory_space<vmem>>) dst(%dma_wait3A_69 : memref<128x128xf32, #tpu.memory_space<vmem_shared>>)
      tpu.yield
    }) : () -> ()
    %mul3A_36 = arith.constant 640 : i32
    %mul3A_37 = arith.muli %arg1, %mul3A_36 : i32
    %add3A_38 = arith.constant 128 : i32
    %add3A_39 = arith.addi %mul3A_37, %add3A_38 : i32
    "tpu.region"() ({
      %run_scoped3A = tpu.sem_alloc : memref<!tpu.dma_semaphore, #tpu.memory_space<semaphore_mem>>
      %dma_start3A_62 = arith.constant 0 : i32
      %dma_start3A_63 = tpu.memref_slice %arg9[%add3A_39, %dma_start3A_62] : memref<10240x128xf32, #tpu.memory_space<vmem_shared>> -> memref<128x128xf32, #tpu.memory_space<vmem_shared>>
      %dma_start3A_64 = arith.constant 0 : i32
      %dma_start3A_65 = tpu.memref_slice %arg9[%add3A_39, %dma_start3A_64] : memref<10240x128xf32, #tpu.memory_space<vmem_shared>> -> memref<128x128xf32, #tpu.memory_space<vmem_shared>>
      tpu.enqueue_dma source(%arg8 : memref<128x128xf32, #tpu.memory_space<vmem>>) target(%dma_start3A_65 : memref<128x128xf32, #tpu.memory_space<vmem_shared>>) target_semaphore(%run_scoped3A : memref<!tpu.dma_semaphore, #tpu.memory_space<semaphore_mem>>)
      %dma_wait3A_66 = arith.constant 0 : i32
      %dma_wait3A_67 = tpu.memref_slice %arg9[%add3A_39, %dma_wait3A_66] : memref<10240x128xf32, #tpu.memory_space<vmem_shared>> -> memref<128x128xf32, #tpu.memory_space<vmem_shared>>
      %dma_wait3A_68 = arith.constant 0 : i32
      %dma_wait3A_69 = tpu.memref_slice %arg9[%add3A_39, %dma_wait3A_68] : memref<10240x128xf32, #tpu.memory_space<vmem_shared>> -> memref<128x128xf32, #tpu.memory_space<vmem_shared>>
      tpu.wait_dma2 semaphore(%run_scoped3A : memref<!tpu.dma_semaphore, #tpu.memory_space<semaphore_mem>>) src(%arg8 : memref<128x128xf32, #tpu.memory_space<vmem>>) dst(%dma_wait3A_69 : memref<128x128xf32, #tpu.memory_space<vmem_shared>>)
      tpu.yield
    }) : () -> ()
    %mul3A_40 = arith.constant 640 : i32
    %mul3A_41 = arith.muli %arg1, %mul3A_40 : i32
    %add3A_42 = arith.constant 256 : i32
    %add3A_43 = arith.addi %mul3A_41, %add3A_42 : i32
    "tpu.region"() ({
      %run_scoped3A = tpu.sem_alloc : memref<!tpu.dma_semaphore, #tpu.memory_space<semaphore_mem>>
      %dma_start3A_62 = arith.constant 0 : i32
      %dma_start3A_63 = tpu.memref_slice %arg9[%add3A_43, %dma_start3A_62] : memref<10240x128xf32, #tpu.memory_space<vmem_shared>> -> memref<128x128xf32, #tpu.memory_space<vmem_shared>>
      %dma_start3A_64 = arith.constant 0 : i32
      %dma_start3A_65 = tpu.memref_slice %arg9[%add3A_43, %dma_start3A_64] : memref<10240x128xf32, #tpu.memory_space<vmem_shared>> -> memref<128x128xf32, #tpu.memory_space<vmem_shared>>
      tpu.enqueue_dma source(%arg8 : memref<128x128xf32, #tpu.memory_space<vmem>>) target(%dma_start3A_65 : memref<128x128xf32, #tpu.memory_space<vmem_shared>>) target_semaphore(%run_scoped3A : memref<!tpu.dma_semaphore, #tpu.memory_space<semaphore_mem>>)
      %dma_wait3A_66 = arith.constant 0 : i32
      %dma_wait3A_67 = tpu.memref_slice %arg9[%add3A_43, %dma_wait3A_66] : memref<10240x128xf32, #tpu.memory_space<vmem_shared>> -> memref<128x128xf32, #tpu.memory_space<vmem_shared>>
      %dma_wait3A_68 = arith.constant 0 : i32
      %dma_wait3A_69 = tpu.memref_slice %arg9[%add3A_43, %dma_wait3A_68] : memref<10240x128xf32, #tpu.memory_space<vmem_shared>> -> memref<128x128xf32, #tpu.memory_space<vmem_shared>>
      tpu.wait_dma2 semaphore(%run_scoped3A : memref<!tpu.dma_semaphore, #tpu.memory_space<semaphore_mem>>) src(%arg8 : memref<128x128xf32, #tpu.memory_space<vmem>>) dst(%dma_wait3A_69 : memref<128x128xf32, #tpu.memory_space<vmem_shared>>)
      tpu.yield
    }) : () -> ()
    %mul3A_44 = arith.constant 640 : i32
    %mul3A_45 = arith.muli %arg1, %mul3A_44 : i32
    %add3A_46 = arith.constant 384 : i32
    %add3A_47 = arith.addi %mul3A_45, %add3A_46 : i32
    "tpu.region"() ({
      %run_scoped3A = tpu.sem_alloc : memref<!tpu.dma_semaphore, #tpu.memory_space<semaphore_mem>>
      %dma_start3A_62 = arith.constant 0 : i32
      %dma_start3A_63 = tpu.memref_slice %arg9[%add3A_47, %dma_start3A_62] : memref<10240x128xf32, #tpu.memory_space<vmem_shared>> -> memref<128x128xf32, #tpu.memory_space<vmem_shared>>
      %dma_start3A_64 = arith.constant 0 : i32
      %dma_start3A_65 = tpu.memref_slice %arg9[%add3A_47, %dma_start3A_64] : memref<10240x128xf32, #tpu.memory_space<vmem_shared>> -> memref<128x128xf32, #tpu.memory_space<vmem_shared>>
      tpu.enqueue_dma source(%arg8 : memref<128x128xf32, #tpu.memory_space<vmem>>) target(%dma_start3A_65 : memref<128x128xf32, #tpu.memory_space<vmem_shared>>) target_semaphore(%run_scoped3A : memref<!tpu.dma_semaphore, #tpu.memory_space<semaphore_mem>>)
      %dma_wait3A_66 = arith.constant 0 : i32
      %dma_wait3A_67 = tpu.memref_slice %arg9[%add3A_47, %dma_wait3A_66] : memref<10240x128xf32, #tpu.memory_space<vmem_shared>> -> memref<128x128xf32, #tpu.memory_space<vmem_shared>>
      %dma_wait3A_68 = arith.constant 0 : i32
      %dma_wait3A_69 = tpu.memref_slice %arg9[%add3A_47, %dma_wait3A_68] : memref<10240x128xf32, #tpu.memory_space<vmem_shared>> -> memref<128x128xf32, #tpu.memory_space<vmem_shared>>
      tpu.wait_dma2 semaphore(%run_scoped3A : memref<!tpu.dma_semaphore, #tpu.memory_space<semaphore_mem>>) src(%arg8 : memref<128x128xf32, #tpu.memory_space<vmem>>) dst(%dma_wait3A_69 : memref<128x128xf32, #tpu.memory_space<vmem_shared>>)
      tpu.yield
    }) : () -> ()
    %mul3A_48 = arith.constant 640 : i32
    %mul3A_49 = arith.muli %arg1, %mul3A_48 : i32
    %add3A_50 = arith.constant 512 : i32
    %add3A_51 = arith.addi %mul3A_49, %add3A_50 : i32
    "tpu.region"() ({
      %run_scoped3A = tpu.sem_alloc : memref<!tpu.dma_semaphore, #tpu.memory_space<semaphore_mem>>
      %dma_start3A_62 = arith.constant 0 : i32
      %dma_start3A_63 = tpu.memref_slice %arg9[%add3A_51, %dma_start3A_62] : memref<10240x128xf32, #tpu.memory_space<vmem_shared>> -> memref<128x128xf32, #tpu.memory_space<vmem_shared>>
      %dma_start3A_64 = arith.constant 0 : i32
      %dma_start3A_65 = tpu.memref_slice %arg9[%add3A_51, %dma_start3A_64] : memref<10240x128xf32, #tpu.memory_space<vmem_shared>> -> memref<128x128xf32, #tpu.memory_space<vmem_shared>>
      tpu.enqueue_dma source(%arg8 : memref<128x128xf32, #tpu.memory_space<vmem>>) target(%dma_start3A_65 : memref<128x128xf32, #tpu.memory_space<vmem_shared>>) target_semaphore(%run_scoped3A : memref<!tpu.dma_semaphore, #tpu.memory_space<semaphore_mem>>)
      %dma_wait3A_66 = arith.constant 0 : i32
      %dma_wait3A_67 = tpu.memref_slice %arg9[%add3A_51, %dma_wait3A_66] : memref<10240x128xf32, #tpu.memory_space<vmem_shared>> -> memref<128x128xf32, #tpu.memory_space<vmem_shared>>
      %dma_wait3A_68 = arith.constant 0 : i32
      %dma_wait3A_69 = tpu.memref_slice %arg9[%add3A_51, %dma_wait3A_68] : memref<10240x128xf32, #tpu.memory_space<vmem_shared>> -> memref<128x128xf32, #tpu.memory_space<vmem_shared>>
      tpu.wait_dma2 semaphore(%run_scoped3A : memref<!tpu.dma_semaphore, #tpu.memory_space<semaphore_mem>>) src(%arg8 : memref<128x128xf32, #tpu.memory_space<vmem>>) dst(%dma_wait3A_69 : memref<128x128xf32, #tpu.memory_space<vmem_shared>>)
      tpu.yield
    }) : () -> ()
    %barrier3A = arith.constant 0 : index
    tpu.barrier barrier_id(%barrier3A)
    %scan3A_52 = arith.constant 0 : i32
    %scan3A_53 = arith.constant 84 : i32
    %scan3A_54 = arith.addi %scan3A_52, %scan3A_53 : i32
    %scan3A_55 = arith.constant 1 : i32
    scf.for %scan3A_62 = %scan3A_52 to %scan3A_54 step %scan3A_55  : i32 {
      %mul3A_63 = arith.constant 1 : i32
      %mul3A_64 = arith.muli %scan3A_62, %mul3A_63 : i32
      %add3A_65 = arith.constant 0 : i32
      %add3A_66 = arith.addi %add3A_65, %mul3A_64 : i32
      %dma_start3A_67 = arith.constant 0 : i32
      %dma_start3A_68 = tpu.memref_slice %arg6[%add3A_66, %dma_start3A_67] : memref<84x128xi32, #tpu.memory_space<vmem>> -> memref<1x128xi32, #tpu.memory_space<vmem>>
      %dma_start3A_69 = tpu.memref_squeeze %dma_start3A_68 : memref<1x128xi32, #tpu.memory_space<vmem>> -> memref<128xi32, #tpu.memory_space<vmem>>
      %dma_start3A_70 = arith.constant 0 : i32
      %dma_start3A_71 = arith.constant 0 : i32
      %dma_start3A_72 = tpu.memref_slice %arg2[%dma_start3A_70, %dma_start3A_71] : memref<20480x128xf32, #tpu.memory_space<hbm>> -> memref<20480x128xf32, #tpu.memory_space<hbm>>
      tpu.enqueue_indirect_dma source(%dma_start3A_72 : memref<20480x128xf32, #tpu.memory_space<hbm>>) target(%arg8 : memref<128x128xf32, #tpu.memory_space<vmem>>) offsets(%dma_start3A_69 : memref<128xi32, #tpu.memory_space<vmem>>) semaphore(%arg10 : memref<!tpu.dma_semaphore, #tpu.memory_space<semaphore_mem>>)
      %dma_wait3A_73 = arith.constant 0 : i32
      %dma_wait3A_74 = tpu.memref_slice %arg6[%add3A_66, %dma_wait3A_73] : memref<84x128xi32, #tpu.memory_space<vmem>> -> memref<1x128xi32, #tpu.memory_space<vmem>>
      %dma_wait3A_75 = tpu.memref_squeeze %dma_wait3A_74 : memref<1x128xi32, #tpu.memory_space<vmem>> -> memref<128xi32, #tpu.memory_space<vmem>>
      %dma_wait3A_76 = arith.constant 0 : i32
      %dma_wait3A_77 = arith.constant 0 : i32
      %dma_wait3A_78 = tpu.memref_slice %arg2[%dma_wait3A_76, %dma_wait3A_77] : memref<20480x128xf32, #tpu.memory_space<hbm>> -> memref<20480x128xf32, #tpu.memory_space<hbm>>
      tpu.wait_indirect_dma semaphore(%arg10 : memref<!tpu.dma_semaphore, #tpu.memory_space<semaphore_mem>>) src(%dma_wait3A_78 : memref<20480x128xf32, #tpu.memory_space<hbm>>) dst(%arg8 : memref<128x128xf32, #tpu.memory_space<vmem>>)
      %dma_start3A_79 = arith.constant 0 : i32
      %dma_start3A_80 = tpu.memref_slice %arg7[%add3A_66, %dma_start3A_79] : memref<84x128xi32, #tpu.memory_space<vmem>> -> memref<1x128xi32, #tpu.memory_space<vmem>>
      %dma_start3A_81 = tpu.memref_squeeze %dma_start3A_80 : memref<1x128xi32, #tpu.memory_space<vmem>> -> memref<128xi32, #tpu.memory_space<vmem>>
      %dma_start3A_82 = arith.constant 0 : i32
      %dma_start3A_83 = arith.constant 0 : i32
      %dma_start3A_84 = tpu.memref_slice %arg9[%dma_start3A_82, %dma_start3A_83] : memref<10240x128xf32, #tpu.memory_space<vmem_shared>> -> memref<10240x128xf32, #tpu.memory_space<vmem_shared>>
      tpu.enqueue_indirect_dma source(%arg8 : memref<128x128xf32, #tpu.memory_space<vmem>>) target(%dma_start3A_84 : memref<10240x128xf32, #tpu.memory_space<vmem_shared>>) offsets(%dma_start3A_81 : memref<128xi32, #tpu.memory_space<vmem>>) semaphore(%arg11 : memref<!tpu.dma_semaphore, #tpu.memory_space<semaphore_mem>>) {add = true}
      %dma_wait3A_85 = arith.constant 0 : i32
      %dma_wait3A_86 = tpu.memref_slice %arg7[%add3A_66, %dma_wait3A_85] : memref<84x128xi32, #tpu.memory_space<vmem>> -> memref<1x128xi32, #tpu.memory_space<vmem>>
      %dma_wait3A_87 = tpu.memref_squeeze %dma_wait3A_86 : memref<1x128xi32, #tpu.memory_space<vmem>> -> memref<128xi32, #tpu.memory_space<vmem>>
      %dma_wait3A_88 = arith.constant 0 : i32
      %dma_wait3A_89 = arith.constant 0 : i32
      %dma_wait3A_90 = tpu.memref_slice %arg9[%dma_wait3A_88, %dma_wait3A_89] : memref<10240x128xf32, #tpu.memory_space<vmem_shared>> -> memref<10240x128xf32, #tpu.memory_space<vmem_shared>>
      tpu.wait_indirect_dma semaphore(%arg11 : memref<!tpu.dma_semaphore, #tpu.memory_space<semaphore_mem>>) src(%arg8 : memref<128x128xf32, #tpu.memory_space<vmem>>) dst(%dma_wait3A_90 : memref<10240x128xf32, #tpu.memory_space<vmem_shared>>)
    }
    %scan3A_56 = arith.constant 84 : i32
    %barrier3A_57 = arith.constant 0 : index
    tpu.barrier barrier_id(%barrier3A_57)
    %mul3A_58 = arith.constant 640 : i32
    %mul3A_59 = arith.muli %arg1, %mul3A_58 : i32
    %mul3A_60 = arith.constant 640 : i32
    %mul3A_61 = arith.muli %arg1, %mul3A_60 : i32
    "tpu.region"() ({
      %run_scoped3A = tpu.sem_alloc : memref<!tpu.dma_semaphore, #tpu.memory_space<semaphore_mem>>
      %dma_start3A_62 = arith.constant 0 : i32
      %dma_start3A_63 = tpu.memref_slice %arg5[%arg0, %mul3A_61, %dma_start3A_62] : memref<2x10240x128xf32, #tpu.memory_space<hbm>> -> memref<1x640x128xf32, #tpu.memory_space<hbm>>
      %dma_start3A_64 = tpu.memref_squeeze %dma_start3A_63 : memref<1x640x128xf32, #tpu.memory_space<hbm>> -> memref<640x128xf32, #tpu.memory_space<hbm>>
      %dma_start3A_65 = arith.constant 0 : i32
      %dma_start3A_66 = tpu.memref_slice %arg9[%mul3A_59, %dma_start3A_65] : memref<10240x128xf32, #tpu.memory_space<vmem_shared>> -> memref<640x128xf32, #tpu.memory_space<vmem_shared>>
      tpu.enqueue_dma source(%dma_start3A_66 : memref<640x128xf32, #tpu.memory_space<vmem_shared>>) target(%dma_start3A_64 : memref<640x128xf32, #tpu.memory_space<hbm>>) target_semaphore(%run_scoped3A : memref<!tpu.dma_semaphore, #tpu.memory_space<semaphore_mem>>)
      %dma_wait3A_67 = arith.constant 0 : i32
      %dma_wait3A_68 = tpu.memref_slice %arg5[%arg0, %mul3A_61, %dma_wait3A_67] : memref<2x10240x128xf32, #tpu.memory_space<hbm>> -> memref<1x640x128xf32, #tpu.memory_space<hbm>>
      %dma_wait3A_69 = tpu.memref_squeeze %dma_wait3A_68 : memref<1x640x128xf32, #tpu.memory_space<hbm>> -> memref<640x128xf32, #tpu.memory_space<hbm>>
      %dma_wait3A_70 = arith.constant 0 : i32
      %dma_wait3A_71 = tpu.memref_slice %arg9[%mul3A_59, %dma_wait3A_70] : memref<10240x128xf32, #tpu.memory_space<vmem_shared>> -> memref<640x128xf32, #tpu.memory_space<vmem_shared>>
      tpu.wait_dma2 semaphore(%run_scoped3A : memref<!tpu.dma_semaphore, #tpu.memory_space<semaphore_mem>>) src(%dma_wait3A_71 : memref<640x128xf32, #tpu.memory_space<vmem_shared>>) dst(%dma_wait3A_69 : memref<640x128xf32, #tpu.memory_space<hbm>>)
      tpu.yield
    }) : () -> ()
    return
  }
}

module attributes {stable_mosaic.version = 14 : i64} {
  func.func @_tc_pre_body(%arg0: memref<10240x256xf32, #tpu.memory_space<vmem>>, %arg1: memref<10240xf32, #tpu.memory_space<vmem>>, %arg2: memref<10240xf32, #tpu.memory_space<vmem>>, %arg3: memref<2x10240x128xf32, #tpu.memory_space<vmem>>) attributes {dimension_semantics = [], scalar_prefetch = 0 : i64, scratch_operands = 0 : i64, tpu.core_type = #tpu.core_type<tc>} {
    %get3A = arith.constant 0 : index
    %get3A_0 = vector.load %arg1[%get3A] : memref<10240xf32, #tpu.memory_space<vmem>>, vector<10240xf32>
    %max3A = arith.constant 1.000000e+00 : f32
    %max3A_1 = vector.broadcast %max3A : f32 to vector<10240xf32>
    %max3A_2 = arith.maximumf %get3A_0, %max3A_1 : vector<10240xf32>
    %rsqrt3A = math.rsqrt %max3A_2 : vector<10240xf32>
    %swap3A = arith.constant 0 : index
    %swap3A_3 = vector.load %arg2[%swap3A] : memref<10240xf32, #tpu.memory_space<vmem>>, vector<10240xf32>
    tpu.vector_store %arg2[%swap3A], %rsqrt3A {strides = array<i32>} : memref<10240xf32, #tpu.memory_space<vmem>>, vector<10240xf32>,
    %get3A_4 = arith.constant 0 : index
    %get3A_5 = arith.constant 0 : index
    %get3A_6 = vector.load %arg0[%get3A_4, %get3A_5] : memref<10240x256xf32, #tpu.memory_space<vmem>>, vector<10240x256xf32>
    %broadcast_in_dim3A = vector.shape_cast %rsqrt3A : vector<10240xf32> to vector<10240x1xf32>
    %mul3A = vector.broadcast %broadcast_in_dim3A : vector<10240x1xf32> to vector<10240x256xf32>
    %mul3A_7 = arith.mulf %get3A_6, %mul3A : vector<10240x256xf32>
    %slice3A = vector.extract_strided_slice %mul3A_7 {offsets = [0, 0], sizes = [10240, 128], strides = [1, 1]} : vector<10240x256xf32> to vector<10240x128xf32>
    %swap3A_8 = arith.constant 0 : index
    %swap3A_9 = arith.constant 0 : index
    %swap3A_10 = arith.constant 0 : index
    %swap3A_11 = vector.load %arg3[%swap3A_8, %swap3A_9, %swap3A_10] : memref<2x10240x128xf32, #tpu.memory_space<vmem>>, vector<1x10240x128xf32>
    %swap3A_12 = vector.shape_cast %swap3A_11 : vector<1x10240x128xf32> to vector<10240x128xf32>
    %swap3A_13 = vector.shape_cast %slice3A : vector<10240x128xf32> to vector<1x10240x128xf32>
    tpu.vector_store %arg3[%swap3A_8, %swap3A_9, %swap3A_10], %swap3A_13 {strides = array<i32>} : memref<2x10240x128xf32, #tpu.memory_space<vmem>>, vector<1x10240x128xf32>,
    %slice3A_14 = vector.extract_strided_slice %mul3A_7 {offsets = [0, 128], sizes = [10240, 128], strides = [1, 1]} : vector<10240x256xf32> to vector<10240x128xf32>
    %swap3A_15 = arith.constant 1 : index
    %swap3A_16 = arith.constant 0 : index
    %swap3A_17 = arith.constant 0 : index
    %swap3A_18 = vector.load %arg3[%swap3A_15, %swap3A_16, %swap3A_17] : memref<2x10240x128xf32, #tpu.memory_space<vmem>>, vector<1x10240x128xf32>
    %swap3A_19 = vector.shape_cast %swap3A_18 : vector<1x10240x128xf32> to vector<10240x128xf32>
    %swap3A_20 = vector.shape_cast %slice3A_14 : vector<10240x128xf32> to vector<1x10240x128xf32>
    tpu.vector_store %arg3[%swap3A_15, %swap3A_16, %swap3A_17], %swap3A_20 {strides = array<i32>} : memref<2x10240x128xf32, #tpu.memory_space<vmem>>, vector<1x10240x128xf32>,
    return
  }
}

module attributes {stable_mosaic.version = 14 : i64} {
  func.func @_tc_mid_body(%arg0: memref<2x10240x128xf32, #tpu.memory_space<vmem>>, %arg1: memref<10240xf32, #tpu.memory_space<vmem>>, %arg2: memref<256x256xf32, #tpu.memory_space<vmem>>, %arg3: memref<256xf32, #tpu.memory_space<vmem>>, %arg4: memref<2x10240x128xf32, #tpu.memory_space<vmem>>) attributes {dimension_semantics = [], scalar_prefetch = 0 : i64, scratch_operands = 0 : i64, tpu.core_type = #tpu.core_type<tc>} {
    %get3A = arith.constant 0 : index
    %get3A_0 = vector.load %arg1[%get3A] : memref<10240xf32, #tpu.memory_space<vmem>>, vector<10240xf32>
    %get3A_1 = arith.constant 0 : index
    %get3A_2 = arith.constant 0 : index
    %get3A_3 = arith.constant 0 : index
    %get3A_4 = vector.load %arg0[%get3A_1, %get3A_2, %get3A_3] : memref<2x10240x128xf32, #tpu.memory_space<vmem>>, vector<1x10240x128xf32>
    %get3A_5 = vector.shape_cast %get3A_4 : vector<1x10240x128xf32> to vector<10240x128xf32>
    %get3A_6 = arith.constant 1 : index
    %get3A_7 = arith.constant 0 : index
    %get3A_8 = arith.constant 0 : index
    %get3A_9 = vector.load %arg0[%get3A_6, %get3A_7, %get3A_8] : memref<2x10240x128xf32, #tpu.memory_space<vmem>>, vector<1x10240x128xf32>
    %get3A_10 = vector.shape_cast %get3A_9 : vector<1x10240x128xf32> to vector<10240x128xf32>
    %concatenate3A = tpu.concatenate %get3A_5, %get3A_10 in 1 : vector<10240x128xf32>, vector<10240x128xf32> -> vector<10240x256xf32>
    %broadcast_in_dim3A = vector.shape_cast %get3A_0 : vector<10240xf32> to vector<10240x1xf32>
    %mul3A = vector.broadcast %broadcast_in_dim3A : vector<10240x1xf32> to vector<10240x256xf32>
    %mul3A_11 = arith.mulf %concatenate3A, %mul3A : vector<10240x256xf32>
    %get3A_12 = arith.constant 0 : index
    %get3A_13 = arith.constant 0 : index
    %get3A_14 = vector.load %arg2[%get3A_12, %get3A_13] : memref<256x256xf32, #tpu.memory_space<vmem>>, vector<256x256xf32>
    %dot_general3A = arith.constant dense<0.000000e+00> : vector<10240x256xf32>
    %dot_general3A_15 = tpu.matmul %mul3A_11, %get3A_14, %dot_general3A {dimension_numbers = #tpu.dot_dimension_numbers<[1], [0], [0], [1], [0, 0, 1, 1], [], []>, transpose_lhs_hint = false} : vector<10240x256xf32>, vector<256x256xf32>, vector<10240x256xf32> -> vector<10240x256xf32>
    %get3A_16 = arith.constant 0 : index
    %get3A_17 = vector.load %arg3[%get3A_16] : memref<256xf32, #tpu.memory_space<vmem>>, vector<256xf32>
    %broadcast_in_dim3A_18 = vector.shape_cast %get3A_17 : vector<256xf32> to vector<1x256xf32>
    %add3A = vector.broadcast %broadcast_in_dim3A_18 : vector<1x256xf32> to vector<10240x256xf32>
    %add3A_19 = arith.addf %dot_general3A_15, %add3A : vector<10240x256xf32>
    %max3A = arith.constant 0.000000e+00 : f32
    %max3A_20 = vector.broadcast %max3A : f32 to vector<10240x256xf32>
    %max3A_21 = arith.maximumf %add3A_19, %max3A_20 : vector<10240x256xf32>
    %broadcast_in_dim3A_22 = vector.shape_cast %get3A_0 : vector<10240xf32> to vector<10240x1xf32>
    %mul3A_23 = vector.broadcast %broadcast_in_dim3A_22 : vector<10240x1xf32> to vector<10240x256xf32>
    %mul3A_24 = arith.mulf %max3A_21, %mul3A_23 : vector<10240x256xf32>
    %slice3A = vector.extract_strided_slice %mul3A_24 {offsets = [0, 0], sizes = [10240, 128], strides = [1, 1]} : vector<10240x256xf32> to vector<10240x128xf32>
    %swap3A = arith.constant 0 : index
    %swap3A_25 = arith.constant 0 : index
    %swap3A_26 = arith.constant 0 : index
    %swap3A_27 = vector.load %arg4[%swap3A, %swap3A_25, %swap3A_26] : memref<2x10240x128xf32, #tpu.memory_space<vmem>>, vector<1x10240x128xf32>
    %swap3A_28 = vector.shape_cast %swap3A_27 : vector<1x10240x128xf32> to vector<10240x128xf32>
    %swap3A_29 = vector.shape_cast %slice3A : vector<10240x128xf32> to vector<1x10240x128xf32>
    tpu.vector_store %arg4[%swap3A, %swap3A_25, %swap3A_26], %swap3A_29 {strides = array<i32>} : memref<2x10240x128xf32, #tpu.memory_space<vmem>>, vector<1x10240x128xf32>,
    %slice3A_30 = vector.extract_strided_slice %mul3A_24 {offsets = [0, 128], sizes = [10240, 128], strides = [1, 1]} : vector<10240x256xf32> to vector<10240x128xf32>
    %swap3A_31 = arith.constant 1 : index
    %swap3A_32 = arith.constant 0 : index
    %swap3A_33 = arith.constant 0 : index
    %swap3A_34 = vector.load %arg4[%swap3A_31, %swap3A_32, %swap3A_33] : memref<2x10240x128xf32, #tpu.memory_space<vmem>>, vector<1x10240x128xf32>
    %swap3A_35 = vector.shape_cast %swap3A_34 : vector<1x10240x128xf32> to vector<10240x128xf32>
    %swap3A_36 = vector.shape_cast %slice3A_30 : vector<10240x128xf32> to vector<1x10240x128xf32>
    tpu.vector_store %arg4[%swap3A_31, %swap3A_32, %swap3A_33], %swap3A_36 {strides = array<i32>} : memref<2x10240x128xf32, #tpu.memory_space<vmem>>, vector<1x10240x128xf32>,
    return
  }
}

module attributes {stable_mosaic.version = 14 : i64} {
  func.func @_tc_fin_body(%arg0: memref<2x10240x128xf32, #tpu.memory_space<vmem>>, %arg1: memref<10240xf32, #tpu.memory_space<vmem>>, %arg2: memref<256x128xf32, #tpu.memory_space<vmem>>, %arg3: memref<128xf32, #tpu.memory_space<vmem>>, %arg4: memref<256x128xf32, #tpu.memory_space<vmem>>, %arg5: memref<128xf32, #tpu.memory_space<vmem>>, %arg6: memref<10240x128xf32, #tpu.memory_space<vmem>>, %arg7: memref<10240x128xf32, #tpu.memory_space<vmem>>) attributes {dimension_semantics = [], scalar_prefetch = 0 : i64, scratch_operands = 0 : i64, tpu.core_type = #tpu.core_type<tc>} {
    %get3A = arith.constant 0 : index
    %get3A_0 = vector.load %arg1[%get3A] : memref<10240xf32, #tpu.memory_space<vmem>>, vector<10240xf32>
    %get3A_1 = arith.constant 0 : index
    %get3A_2 = arith.constant 0 : index
    %get3A_3 = arith.constant 0 : index
    %get3A_4 = vector.load %arg0[%get3A_1, %get3A_2, %get3A_3] : memref<2x10240x128xf32, #tpu.memory_space<vmem>>, vector<1x10240x128xf32>
    %get3A_5 = vector.shape_cast %get3A_4 : vector<1x10240x128xf32> to vector<10240x128xf32>
    %get3A_6 = arith.constant 1 : index
    %get3A_7 = arith.constant 0 : index
    %get3A_8 = arith.constant 0 : index
    %get3A_9 = vector.load %arg0[%get3A_6, %get3A_7, %get3A_8] : memref<2x10240x128xf32, #tpu.memory_space<vmem>>, vector<1x10240x128xf32>
    %get3A_10 = vector.shape_cast %get3A_9 : vector<1x10240x128xf32> to vector<10240x128xf32>
    %concatenate3A = tpu.concatenate %get3A_5, %get3A_10 in 1 : vector<10240x128xf32>, vector<10240x128xf32> -> vector<10240x256xf32>
    %broadcast_in_dim3A = vector.shape_cast %get3A_0 : vector<10240xf32> to vector<10240x1xf32>
    %mul3A = vector.broadcast %broadcast_in_dim3A : vector<10240x1xf32> to vector<10240x256xf32>
    %mul3A_11 = arith.mulf %concatenate3A, %mul3A : vector<10240x256xf32>
    %get3A_12 = arith.constant 0 : index
    %get3A_13 = arith.constant 0 : index
    %get3A_14 = vector.load %arg2[%get3A_12, %get3A_13] : memref<256x128xf32, #tpu.memory_space<vmem>>, vector<256x128xf32>
    %dot_general3A = arith.constant dense<0.000000e+00> : vector<10240x128xf32>
    %dot_general3A_15 = tpu.matmul %mul3A_11, %get3A_14, %dot_general3A {dimension_numbers = #tpu.dot_dimension_numbers<[1], [0], [0], [1], [0, 0, 1, 1], [], []>, transpose_lhs_hint = false} : vector<10240x256xf32>, vector<256x128xf32>, vector<10240x128xf32> -> vector<10240x128xf32>
    %get3A_16 = arith.constant 0 : index
    %get3A_17 = vector.load %arg3[%get3A_16] : memref<128xf32, #tpu.memory_space<vmem>>, vector<128xf32>
    %broadcast_in_dim3A_18 = vector.shape_cast %get3A_17 : vector<128xf32> to vector<1x128xf32>
    %add3A = vector.broadcast %broadcast_in_dim3A_18 : vector<1x128xf32> to vector<10240x128xf32>
    %add3A_19 = arith.addf %dot_general3A_15, %add3A : vector<10240x128xf32>
    %swap3A = arith.constant 0 : index
    %swap3A_20 = arith.constant 0 : index
    %swap3A_21 = vector.load %arg6[%swap3A, %swap3A_20] : memref<10240x128xf32, #tpu.memory_space<vmem>>, vector<10240x128xf32>
    tpu.vector_store %arg6[%swap3A, %swap3A_20], %add3A_19 {strides = array<i32>} : memref<10240x128xf32, #tpu.memory_space<vmem>>, vector<10240x128xf32>,
    %get3A_22 = arith.constant 0 : index
    %get3A_23 = arith.constant 0 : index
    %get3A_24 = vector.load %arg4[%get3A_22, %get3A_23] : memref<256x128xf32, #tpu.memory_space<vmem>>, vector<256x128xf32>
    %dot_general3A_25 = arith.constant dense<0.000000e+00> : vector<10240x128xf32>
    %dot_general3A_26 = tpu.matmul %mul3A_11, %get3A_24, %dot_general3A_25 {dimension_numbers = #tpu.dot_dimension_numbers<[1], [0], [0], [1], [0, 0, 1, 1], [], []>, transpose_lhs_hint = false} : vector<10240x256xf32>, vector<256x128xf32>, vector<10240x128xf32> -> vector<10240x128xf32>
    %get3A_27 = arith.constant 0 : index
    %get3A_28 = vector.load %arg5[%get3A_27] : memref<128xf32, #tpu.memory_space<vmem>>, vector<128xf32>
    %broadcast_in_dim3A_29 = vector.shape_cast %get3A_28 : vector<128xf32> to vector<1x128xf32>
    %add3A_30 = vector.broadcast %broadcast_in_dim3A_29 : vector<1x128xf32> to vector<10240x128xf32>
    %add3A_31 = arith.addf %dot_general3A_26, %add3A_30 : vector<10240x128xf32>
    %swap3A_32 = arith.constant 0 : index
    %swap3A_33 = arith.constant 0 : index
    %swap3A_34 = vector.load %arg7[%swap3A_32, %swap3A_33] : memref<10240x128xf32, #tpu.memory_space<vmem>>, vector<10240x128xf32>
    tpu.vector_store %arg7[%swap3A_32, %swap3A_33], %add3A_31 {strides = array<i32>} : memref<10240x128xf32, #tpu.memory_space<vmem>>, vector<10240x128xf32>,
    return
  }
}

</mosaic_0001>

<sc_bundles>
// kernel: kernel.11.cloned.1.call-start
scs
__scs_entry_jumppad:
0x0: {  	(pc) =	sbr.rel $0x88, $3  }
0x1: {  	(tag) =	ssettag $0x0;
	lr =	simm.s32 $0x1  }
0x2: {  	[smem:$0x3F99] =	sst lr;
	_ =	strace $0xD0000000  }
0x3: {  	_ = 	snop  }
0x4: {  	_ = 	snop  }
0x5: {  	_ = 	snop  }
0x6: {  	_ = 	snop  }
0x7: {  	_ = 	snop  }
__scs_overlays_trampoline_lowered:
0x8: {  	[smem:$0x3FA8] =	sst s0  }
0x9: {  	[smem:$0x3FA9] =	sst s1  }
0xa: {  	[smem:$0x3FAA] =	sst s2  }
0xb: {  	[smem:$0x3FAB] =	sst s3  }
0xc: {  	[smem:$0x3FAC] =	sst s4  }
0xd: {  	[smem:$0x3FAD] =	sst s5  }
0xe: {  	[smem:$0x3FAE] =	sst s6  }
0xf: {  	[smem:$0x3FAF] =	sst s7  }
0x10: {  	[smem:$0x3FB0] =	sst s8  }
0x11: {  	[smem:$0x3FB1] =	sst s9;
	s0 =	simm.s32 @!p0 $0x0  }
0x12: {  	s1 =	sld [smem:$0x3F97];
	s0 =	simm.s32 @p0 $0x1  }
0x13: {  	[smem:$0x3FB2] =	sst s0;
	s0 =	simm.s32 @!p1 $0x0  }
0x14: {  	s2 =	sld [smem:$0x3F96];
	s0 =	simm.s32 @p1 $0x1  }
0x15: {  	[smem:$0x3FB3] =	sst s0;
	s0 =	simm.s32 @!p2 $0x0  }
0x16: {  	s3 =	sld [smem:$0x3FDB];
	s0 =	simm.s32 @p2 $0x1  }
0x17: {  	s4 =	simm.s32 $0x1BF5;
	[smem:$0x3FB5] =	sst s0  }
0x18: {  	s0 =	sld [smem:$0x3F98];
	_ =	swait.ge [sflag:s4], $0x0  }
0x19: {  	s7 =	sld [smem:$0x3F99]  }
0x1a: {  	s8 =	sadd.s32 $0xFFFFE003, lr  }
0x1b: {  	s9 =	sadd.s32 $0xFFFFFEF7, lr;
	s5 =	simm.s32 $0xFFFFFFFF;
	p2 =	slt.u32 s8, $0xFFFFF086  }
0x1c: {  	p1 =	slt.u32 s9, $0xF7A;
	s5 =	simm.s32 @!p2 $0x0  }
0x1d: {  	s5 =	simm.s32 @p1 $0x1;
	p0 =	seq.s32 s7, s2  }
0x1e: {  	s7 =	smul.u32 @!p0 $0xF7A, s2;
	p2 =	seq.s32 @!p0 s5, $0x0  }
0x1f: {  	s9 =	smul.u32 $0xF7A, s1;
	s8 =	simm.s32 @!p0 $0x1BF5;
	p2 =	por !p2, p0  }
0x20: {  	[sflag:s8] =	ssyncset.s32 @!p0 $0xFFFFF086;
	s6 =	sadd.s32 @!p0 s3, s7;
	s7 =	simm.s32 @!p0 $0x108  }
0x21: {  	s3 =	sadd.s32 s3, s9;
	s6 =	sadd.s32 @!p0 $0x88, s6;
	s7 =	simm.s32 @p2 $0x1082  }
0x22: {  	[simem:s7], [sflag:s8] =	dma.local @!p0 [hbm:s6], $0xF7A  }
0x23: {  	s9 =	sor.u32 $0xD0000000, s2;
	s6 =	simm.s32 $0x108;
	_ =	swait.ge @!p0 [sflag:s8], $0x0  }
0x24: {  	s3 =	sadd.s32 $0x88, s3;
	s6 =	simm.s32 @!p1 $0x1082;
	[sflag:s4] =	ssyncset.s32 $0xFFFFF086  }
0x25: {  	[simem:s6], [sflag:s4] =	dma.local [hbm:s3], $0xF7A  }
0x26: {  	[smem:$0x3F99] =	sst s1;
	(tag) =	ssettag s2;
	_ =	strace s9  }
0x27: {  	s1 =	sld [smem:$0x3FA9]  }
0x28: {  	s2 =	sld [smem:$0x3FAA]  }
0x29: {  	s4 =	sld [smem:$0x3FAC]  }
0x2a: {  	p0 =	seq.s32 s5, $0x0;
	s5 =	sld [smem:$0x3FAD]  }
0x2b: {  	s6 =	sld [smem:$0x3FAE]  }
0x2c: {  	s7 =	sld [smem:$0x3FAF]  }
0x2d: {  	s3 =	simm.s32 $0x108;
	s8 =	sld [smem:$0x3FB0]  }
0x2e: {  	s3 =	simm.s32 @!p0 $0x1082;
	s9 =	sld [smem:$0x3FB1]  }
0x2f: {  	lr =	sadd.s32 s0, s3;
	s0 =	sld [smem:$0x3FA8]  }
0x30: {  	s3 =	sld [smem:$0x3FAB]  }
0x31: {  	[smem:$0x3FB4] =	sst s10  }
0x32: {  	s10 =	sld [smem:$0x3FB2];
	_ =	sdelay $0x3  }
0x33: {  	p0 =	seq.s32 s10, $0x1;
	s10 =	sld [smem:$0x3FB4];
	_ =	sdelay $0x3  }
0x34: {  	[smem:$0x3FB4] =	sst s10  }
0x35: {  	s10 =	sld [smem:$0x3FB3];
	_ =	sdelay $0x3  }
0x36: {  	p1 =	seq.s32 s10, $0x1;
	s10 =	sld [smem:$0x3FB4];
	_ =	sdelay $0x3  }
0x37: {  	[smem:$0x3FB4] =	sst s10  }
0x38: {  	s10 =	sld [smem:$0x3FB5]  }
0x39: {  	_ = 	snop;
	(pc) =	sbr.ind lr, $3  }
0x3a: {  	_ = 	snop  }
0x3b: {  	_ = 	snop  }
0x3c: {  	p2 =	seq.s32 s10, $0x1;
	s10 =	sld [smem:$0x3FB4]  }
0x3d: {  	_ =	shalt  }
0x3e: {  	_ =	shalt  }
0x3f: {  	_ =	shalt  }
0x40: {  	_ =	shalt  }
0x41: {  	_ =	shalt  }
0x42: {  	_ =	shalt  }
0x43: {  	_ =	shalt  }
0x44: {  	_ =	shalt  }
0x45: {  	_ =	shalt  }
0x46: {  	_ =	shalt  }
0x47: {  	_ =	shalt  }
0x48: {  	_ =	shalt  }
0x49: {  	_ =	shalt  }
0x4a: {  	_ =	shalt  }
0x4b: {  	_ =	shalt  }
0x4c: {  	_ =	shalt  }
0x4d: {  	_ =	shalt  }
0x4e: {  	_ =	shalt  }
0x4f: {  	_ =	shalt  }
0x50: {  	_ =	shalt  }
0x51: {  	_ =	shalt  }
0x52: {  	_ =	shalt  }
0x53: {  	_ =	shalt  }
0x54: {  	_ =	shalt  }
0x55: {  	_ =	shalt  }
0x56: {  	_ =	shalt  }
0x57: {  	_ =	shalt  }
0x58: {  	_ =	shalt  }
0x59: {  	_ =	shalt  }
0x5a: {  	_ =	shalt  }
0x5b: {  	_ =	shalt  }
0x5c: {  	_ =	shalt  }
0x5d: {  	_ =	shalt  }
0x5e: {  	_ =	shalt  }
0x5f: {  	_ =	shalt  }
0x60: {  	_ =	shalt  }
0x61: {  	_ =	shalt  }
0x62: {  	_ =	shalt  }
0x63: {  	_ =	shalt  }
0x64: {  	_ =	shalt  }
0x65: {  	_ =	shalt  }
0x66: {  	_ =	shalt  }
0x67: {  	_ =	shalt  }
0x68: {  	_ =	shalt  }
0x69: {  	_ =	shalt  }
0x6a: {  	_ =	shalt  }
0x6b: {  	_ =	shalt  }
0x6c: {  	_ =	shalt  }
0x6d: {  	_ =	shalt  }
0x6e: {  	_ =	shalt  }
0x6f: {  	_ =	shalt  }
0x70: {  	_ =	shalt  }
0x71: {  	_ =	shalt  }
0x72: {  	_ =	shalt  }
0x73: {  	_ =	shalt  }
0x74: {  	_ =	shalt  }
0x75: {  	_ =	shalt  }
0x76: {  	_ =	shalt  }
0x77: {  	_ =	shalt  }
0x78: {  	_ =	shalt  }
0x79: {  	_ =	shalt  }
0x7a: {  	_ =	shalt  }
0x7b: {  	_ =	shalt  }
0x7c: {  	_ =	shalt  }
0x7d: {  	_ =	shalt  }
0x7e: {  	_ =	shalt  }
0x7f: {  	_ =	shalt  }
0x80: {  	_ =	shalt  }
0x81: {  	_ =	shalt  }
0x82: {  	_ =	shalt  }
0x83: {  	_ =	shalt  }
0x84: {  	_ =	shalt  }
0x85: {  	_ =	shalt  }
0x86: {  	_ =	shalt  }
0x87: {  	_ =	shalt  }
.Lfunc_end0:
.L_simem_size_0:
called_computation.1_lowered:
.L_overlay_start_0:
0x88: {  	s2 =	sld [smem:$0x3FD9]  }
0x89: {  	s3 =	sld [smem:$0x3FFE];
	_ =	sdelay $0x1  }
0x8a: {  	s1 =	srdreg.scid  }
0x8b: {  	s0 =	sand.u32 $0x1, s1  }
0x8c: {  	s14 =	sshll.u32 s0, $0xA;
	s2 =	sadd.s32 s3, s2  }
0x8d: {  	s2 =	sadd.s32 s2, s14  }
0x8e: {  	[smem:$0x3FC0] =	sst s2  }
0x8f: {  	_ = 	snop  }
0x90: {  	s2 =	sld [smem:$0x3FD0];
	_ =	sdelay $0x2  }
0x91: {  	s15 =	simm.s32 $0xA;
	s4 =	simm.s32 $0x10  }
0x92: {  	[smem:s4], [sflag:s15] =	dma.local [hbm:s2], $0x1  }
0x93: {  	_ =	swait.eq [sflag:s15], $0x1  }
0x94: {  	[sflag:s15] =	ssyncset.done $0x0  }
0x95: {  	s16 =	sld [smem:$0x10];
	[sflag:s15] =	ssyncadd.s32 $0xFFFFFFFF  }
0x96: {  	s17 =	sld [smem:$0x11];
	(tm) =	ssettm $0x1  }
0x97: {  	s18 =	sld [smem:$0x3FFB];
	_ =	sdelay $0x3  }
0x98: {  	_ =	strace s18  }
0x99: {  	s4 =	sld [smem:$0x3FFC];
	_ =	sdelay $0x3  }
0x9a: {  	_ =	strace s4  }
0x9b: {  	s4 =	sld [smem:$0x3FFD];
	_ =	sdelay $0x3  }
0x9c: {  	_ =	strace s4  }
0x9d: {  	_ =	strace $0x8FFFFFFF  }
0x9e: {  	s19 =	sld [smem:$0x3FDB];
	_ =	sdelay $0x1  }
0x9f: {  	s5 =	simm.s32 $_scs_section_size  }
0xa0: {  	s6 =	simm.s32 $_size__tile_overlayer_lowered;
	s7 =	simm.s32 $_tile_overlayer_lowered  }
0xa1: {  	s22 =	simm.s32 $0x1BFF;
	s21 =	sshll.u32 s7, $0x1;
	s4 =	sadd.s32 s5, s19  }
0xa2: {  	s8 =	simm.s32 $0x0;
	s20 =	sshll.u32 s6, $0x1;
	s6 =	sadd.s32 s21, s4  }
0xa3: {  	[timem:s8], [sflag:s22] =	dma.local [hbm:s6], s20  }
0xa4: {  	_ =	swait.ge [sflag:s22], s20  }
0xa5: {  	s5 =	ssub.s32 $0x0, s20;
	[sflag:s22] =	ssyncset.done $0x0  }
0xa6: {  	[sflag:s22] =	ssyncadd.s32 s5;
	_ =	sdelay $0x1  }
0xa7: {  	s23 =	simm.s32 $0x1B8B  }
0xa8: {  	_ =	swait.ge [sflag:s23], $0x1  }
0xa9: {  	[sflag:s23] =	ssyncset.done $0x0  }
0xaa: {  	s25 =	simm.s32 $0x1B8E;
	s24 =	sld [smem:$0x3FFE];
	[sflag:s23] =	ssyncadd.s32 $0xFFFFFFFF  }
0xab: {  	s26 =	simm.s32 $execute0_lowered;
	[smem:$0x3FD2] =	sst s25  }
0xac: {  	s6 =	sshll.u32 s26, $0x1;
	_ =	strace $0x80000049;
	[dreg:$0x1] =	wrdreg $0xFFFFFFFF  }
0xad: {  	s28 =	simm.s32 $_size_execute0_lowered;
	s4 =	sadd.s32 s4, s6;
	[dreg:$0x0] =	wrdreg $0x0  }
0xae: {  	s6 =	sshll.u32 s28, $0x1;
	[dreg:$0x2] =	wrdreg s4  }
0xaf: {  	[dreg:$0x3] =	wrdreg s6  }
0xb0: {  	[dreg:$0x4] =	wrdreg $0xC0  }
0xb1: {  	_ =	task [dreg:s8], $0x5FFFF  }
0xb2: {  	[dreg:$0x1] =	wrdreg $0xFFFFFFFF  }
0xb3: {  	[dreg:$0x0] =	wrdreg $0x60  }
0xb4: {  	[dreg:$0x2] =	wrdreg s24  }
0xb5: {  	[dreg:$0x3] =	wrdreg s17  }
0xb6: {  	[dreg:$0x4] =	wrdreg s16  }
0xb7: {  	[dreg:$0x5] =	wrdreg $0x98000  }
0xb8: {  	[dreg:$0x6] =	wrdreg $0x9  }
0xb9: {  	_ =	task.clear_ibuf [dreg:s8], $0x7FFFF;
	_ =	strace $0x90000049  }
0xba: {  	s29 =	simm.s32 $0x9;
	_ =	strace $0x8000004B  }
0xbb: {  	_ =	swait.ge [sflag:s29], $0x1  }
0xbc: {  	[sflag:s29] =	ssyncadd.s32 $0xFFFFFFFF  }
0xbd: {  	_ =	strace $0x9000004B  }
0xbe: {  	_ =	sfence  }
0xbf: {  	s30 =	sld [smem:$0x0];
	_ =	sdelay $0x2  }
0xc0: {  	s31 =	sshll.u32 s1, $0xD;
	s1 =	sshrl.u32 s1, $0x2  }
0xc1: {  	s3 =	sand.u32 $0x4000, s31;
	s1 =	sadd.s32 s1, s30  }
0xc2: {  	s0 =	sor.u32 s3, s0;
	s1 =	sshll.u32 s1, $0x11  }
0xc3: {  	s0 =	sor.u32 s1, s0  }
0xc4: {  	s0 =	sadd.s32 $0x8F2B, s0  }
0xc5: {  	[sflag:s0] =	ssyncadd.remote.s32 $0x1  }
0xc6: {  	_ =	sfence.sel $0xFFFF  }
0xc7: {  	[dreg:$0x0] =	wrdreg $0xFFFFFFFF;
	(pc) =	sbr.abs _section_cstart, $3  }
0xc8: {  	[dreg:$0x1] =	wrdreg $0xFFFFFFFF  }
0xc9: {  	_ =	task.clear_ibuf [dreg:s8], $0x2FFFF;
	_ =	strace $0x9FFFFFFF  }
0xca: {  	(tm) =	ssettm $0x7FFFFFFF  }
0xcb: {  	_ =	shalt  }
tec
execute0_lowered:
.L_overlay_start_1:
0x0: {  	(tag) =	ssettag $0x1  }
0x1: {  	s5 =	rddreg [dreg:$0x0]  }
0x2: {  	s6 =	rddreg [dreg:$0x1]  }
0x3: {  	s7 =	rddreg [dreg:$0x2]  }
0x4: {  	s1 =	rddreg [dreg:$0x3];
	s2 =	srdreg.scid  }
0x5: {  	s0 =	rddreg [dreg:$0x4];
	s3 =	simm.s32 $0x0;
	s15 =	simm.s32 $0x2C00  }
0x6: {  	s16 =	simm.s32 $0x5800;
	s17 =	simm.s32 $0x4;
	s8 =	sand.u32 $0x1, s2  }
0x7: {  	s18 =	simm.s32 $0x80;
	s2 =	stileid.u32;
	s9 =	smul.u32 $0x140000, s8  }
0x8: {  	s19 =	simm.s32 $0x1;
	s20 =	simm.s32 $0x2;
	s10 =	smul.u32 $0x14000, s2  }
0x9: {  	s23 =	simm.s32 $0x0;
	[smem:$0x7FF] =	sst s3;
	s11 =	smul.u32 $0x2C00, s2  }
0xa: {  	s4 =	sadd.s32 $0x1C00, s5;
	_ =	strace $0x8000004A;
	s25 =	smul.u32 $0x2C000, s8  }
0xb: {  	s8 =	ssub.s32 $0x2, s8;
	s12 =	smul.u32 $0x50000, s2;
	s21 =	sshll.u32 s2, $0x6  }
0xc: {  	s26 =	sshrl.u32 s8, $0x1;
	s21 =	sor.u32 $0x1C04, s21;
	s9 =	sadd.s32 s10, s9  }
0xd: {  	s28 =	sadd.s32 s11, s25;
	s14 =	ssub.s32 s8, s26;
	s30 =	sshrl.u32 s12, $0x2  }
0xe: {  	s31 =	sshrl.u32 s11, $0x3;
	s9 =	sshrl.u32 s9, $0x3;
	s29 =	sshrl.u32 s28, $0x3  }
0xf: {  	s13 =	sadd.s32 s9, s5;
	s5 =	sadd.s32 s6, s29;
	s6 =	sadd.s32 s30, s1  }
0x10: {  	s7 =	sadd.s32 s7, s31;
	s8 =	sadd.s32 $0x4000, s6;
	s9 =	sadd.s32 $0x8000, s6  }
0x11: {  	s10 =	sadd.s32 $0xC000, s6;
	s11 =	sadd.s32 $0x10000, s6;
	s12 =	sadd.s32 $0x51C00, s13  }
0x12: {  	v0 =	vimm.f32 $0.0e+00;
	s13 =	smax.u32 s14, $0x1;
	s14 =	simm.s32 $0x3;
	s22 =	sshrl.u32 s6, $0x3  }
.LBB2_1:
0x13: {  	[tilespmem:s3], [sflag:$0x3] =	stream.linear.gather [hbm4b:s5+s3], $0x2A00, $0x38;
	[tilespmem:$0x1D800] =	vst v63  }
0x14: {  	_ =	swait.ge [sflag:s14], $0x2A00  }
0x15: {  	[sflag:s14] =	ssyncset.done $0x0  }
0x16: {  	[sflag:s14] =	ssyncadd.s32 $0xFFFFD600  }
0x17: {  	[tilespmem:s15], [sflag:$0x3] =	stream.linear.gather [hbm4b:s7+s3], $0x2A00, $0x38;
	[tilespmem:$0x1D800] =	vst v63  }
0x18: {  	_ =	swait.ge [sflag:s14], $0x2A00  }
0x19: {  	[sflag:s14] =	ssyncset.done $0x0  }
0x1a: {  	s24 =	simm.s32 $0x0;
	s25 =	simm.s32 $0x200;
	[sflag:s14] =	ssyncadd.s32 $0xFFFFD600  }
.LBB2_2:
0x1b: {  	p0 =	sne.s32 s25, $0xFE00;
	[tilespmem:s24+$0x5870] =	vst v0  }
0x1c: {  	[tilespmem:s24+$0x5800] =	vst v0  }
0x1d: {  	[tilespmem:s24+$0x5810] =	vst v0  }
.Ltmp0:
0x1e: {  	[tilespmem:s24+$0x5820] =	vst v0;
	(pc) =	sbr.rel @p0 .LBB2_2-.Ltmp0, $4  }
0x1f: {  	[tilespmem:s24+$0x5830] =	vst v0  }
0x20: {  	[tilespmem:s24+$0x5840] =	vst v0  }
0x21: {  	[tilespmem:s24+$0x5850] =	vst v0  }
0x22: {  	[tilespmem:s24+$0x5860] =	vst v0;
	s24 =	sshra.s32 s25, $0x2;
	s25 =	sadd.s32 $0x200, s25  }
0x23: {  	[tilespmem:s24+$0x5870] =	vst v0  }
0x24: {  	[tilespmem:s24+$0x5800] =	vst v0  }
0x25: {  	[tilespmem:s24+$0x5810] =	vst v0  }
0x26: {  	[tilespmem:s24+$0x5820] =	vst v0  }
0x27: {  	[tilespmem:s24+$0x5830] =	vst v0  }
0x28: {  	[tilespmem:s24+$0x5840] =	vst v0  }
0x29: {  	[tilespmem:s24+$0x5850] =	vst v0  }
0x2a: {  	[tilespmem:s24+$0x5860] =	vst v0  }
0x2b: {  	[spmem:s6] =	stream.linear.scatter [tilespmem:s16], [sflag:$0x4], $0x4000, $0x38;
	[tilespmem:$0x1D800] =	vst v63  }
0x2c: {  	_ =	swait.ge [sflag:s17], $0x4000  }
0x2d: {  	[sflag:s17] =	ssyncset.done $0x0  }
0x2e: {  	[sflag:s17] =	ssyncadd.s32 $0xFFFFC000  }
0x2f: {  	[spmem:s8] =	stream.linear.scatter [tilespmem:s16], [sflag:$0x4], $0x4000, $0x38;
	[tilespmem:$0x1D800] =	vst v63  }
0x30: {  	_ =	swait.ge [sflag:s17], $0x4000  }
0x31: {  	[sflag:s17] =	ssyncset.done $0x0  }
0x32: {  	[sflag:s17] =	ssyncadd.s32 $0xFFFFC000  }
0x33: {  	[spmem:s9] =	stream.linear.scatter [tilespmem:s16], [sflag:$0x4], $0x4000, $0x38;
	[tilespmem:$0x1D800] =	vst v63  }
0x34: {  	_ =	swait.ge [sflag:s17], $0x4000  }
0x35: {  	[sflag:s17] =	ssyncset.done $0x0  }
0x36: {  	[sflag:s17] =	ssyncadd.s32 $0xFFFFC000  }
0x37: {  	[spmem:s10] =	stream.linear.scatter [tilespmem:s16], [sflag:$0x4], $0x4000, $0x38;
	[tilespmem:$0x1D800] =	vst v63  }
0x38: {  	_ =	swait.ge [sflag:s17], $0x4000  }
0x39: {  	[sflag:s17] =	ssyncset.done $0x0  }
0x3a: {  	[sflag:s17] =	ssyncadd.s32 $0xFFFFC000  }
0x3b: {  	[spmem:s11] =	stream.linear.scatter [tilespmem:s16], [sflag:$0x4], $0x4000, $0x38;
	[tilespmem:$0x1D800] =	vst v63  }
0x3c: {  	_ =	swait.ge [sflag:s17], $0x4000  }
0x3d: {  	[sflag:s17] =	ssyncset.done $0x0  }
0x3e: {  	[sflag:s17] =	ssyncadd.s32 $0xFFFFC000  }
0x3f: {  	s30 =	simm.s32 $0x0;
	[bflag:$0x0] =	sbarrier.arrive $0xFFFF  }
0x40: {  	[tilespmem:s16], [sflag:$0x1] =	stream.indirect.gather [hbm4b:s4+s18], $0x80, s30, s18, $0xb8;
	[tilespmem:$0x1D800] =	vst v63  }
0x41: {  	_ =	swait.ge [sflag:s19], $0x4000  }
0x42: {  	[sflag:s19] =	ssyncset.done $0x0  }
0x43: {  	s31 =	simm.s32 $0x2C00;
	[sflag:s19] =	ssyncadd.s32 $0xFFFFC000  }
0x44: {  	[spmem:s1] =	stream.indirect.scatter.add.f32 [tilespmem:s16], [sflag:$0x2], $0x80, s31, s18, $0xb8;
	[tilespmem:$0x1D800] =	vst v63  }
0x45: {  	_ =	swait.ge [sflag:s20], $0x4000  }
0x46: {  	s24 =	simm.s32 $0x200;
	s25 =	simm.s32 $0x400;
	[sflag:s20] =	ssyncset.done $0x0  }
.LBB2_4:
0x47: {  	s26 =	sshra.s32 s24, $0x2  }
0x48: {  	[sflag:s20] =	ssyncadd.s32 $0xFFFFC000;
	s24 =	smov.u32 s25;
	s28 =	sadd.s32 $0x200, s25  }
0x49: {  	[tilespmem:s16], [sflag:$0x1] =	stream.indirect.gather [hbm4b:s4+s18], $0x80, s26, s18, $0xb8;
	[tilespmem:$0x1D800] =	vst v63  }
0x4a: {  	p0 =	sne.s32 s25, $0xA600;
	_ =	swait.ge [sflag:s19], $0x4000  }
.Ltmp1:
0x4b: {  	[sflag:s19] =	ssyncset.done $0x0;
	(pc) =	sbr.rel @p0 .LBB2_4-.Ltmp1, $4  }
0x4c: {  	s25 =	sadd.s32 $0x2C00, s26;
	[sflag:s19] =	ssyncadd.s32 $0xFFFFC000  }
0x4d: {  	[spmem:s1] =	stream.indirect.scatter.add.f32 [tilespmem:s16], [sflag:$0x2], $0x80, s25, s18, $0xb8;
	[tilespmem:$0x1D800] =	vst v63  }
0x4e: {  	_ =	swait.ge [sflag:s20], $0x4000  }
0x4f: {  	s25 =	smov.u32 s28;
	[sflag:s20] =	ssyncset.done $0x0  }
0x50: {  	s24 =	sshra.s32 s24, $0x2;
	[sflag:s20] =	ssyncadd.s32 $0xFFFFC000  }
0x51: {  	[tilespmem:s16], [sflag:$0x1] =	stream.indirect.gather [hbm4b:s4+s18], $0x80, s24, s18, $0xb8;
	[tilespmem:$0x1D800] =	vst v63  }
0x52: {  	_ =	swait.ge [sflag:s19], $0x4000  }
0x53: {  	[sflag:s19] =	ssyncset.done $0x0  }
0x54: {  	s24 =	sadd.s32 $0x2C00, s24;
	[sflag:s19] =	ssyncadd.s32 $0xFFFFC000  }
0x55: {  	[spmem:s1] =	stream.indirect.scatter.add.f32 [tilespmem:s16], [sflag:$0x2], $0x80, s24, s18, $0xb8;
	[tilespmem:$0x1D800] =	vst v63  }
0x56: {  	_ =	swait.ge [sflag:s20], $0x4000  }
0x57: {  	s23 =	sadd.s32 $0x1, s23;
	[sflag:s20] =	ssyncset.done $0x0  }
0x58: {  	p0 =	sne.s32 s23, s13;
	[sflag:s20] =	ssyncadd.s32 $0xFFFFC000  }
.Ltmp2:
0x59: {  	[bflag:$0x0] =	sbarrier.arrive $0xFFFF;
	(pc) =	sbr.rel @p0 .LBB2_1-.Ltmp2, $4  }
0x5a: {  	[hbm:s12], [sflag:s21] =	dma.local [spmem:s22], $0x2800  }
0x5b: {  	_ =	swait.ge [sflag:s17], $0x2800  }
0x5c: {  	[sflag:s17] =	ssyncset.done $0x0  }
0x5d: {  	[sflag:s17] =	ssyncadd.s32 $0xFFFFD800  }
0x5e: {  	_ =	sfence.sel $0x180000  }
0x5f: {  	[bflag:$0x0] =	sbarrier.arrive $0xFFFF  }
0x60: {  	p0 =	sne.s32 s2, $0x0;
	_ =	strace $0x9000004A  }
0x61: {  	s0 =	sadd.s32 @!p0 $0x100000, s0;
	[bflag:$0x2] =	sbarrier.arrive $0xFFFF  }
0x62: {  	[sflag:s0] =	ssyncadd.tile.s32 @!p0 $0x1;
	_ =	shalt  }
.Lfunc_end2:
_tile_overlayer_lowered:
.L_overlay_start_2:
0x63: {  	(tag) =	ssettag $0x2  }
0x64: {  	s0 =	rddreg [dreg:$0x0];
	s2 =	stileid.u32  }
0x65: {  	s1 =	rddreg [dreg:$0x1];
	p0 =	sne.s32 s2, $0x0  }
0x66: {  	s3 =	rddreg [dreg:$0x2];
	[bflag:$0x3] =	sbarrier.arrive $0xFFFF;
	s2 =	simm.s32 @!p0 $0x1C04  }
0x67: {  	[timem:s3], [sflag:s2] =	dma.local @!p0 [hbm:s0], s1  }
0x68: {  	s0 =	simm.s32 @!p0 $0x4  }
0x69: {  	_ =	swait.ge @!p0 [sflag:s0], s1  }
0x6a: {  	s1 =	ssub.s32 @!p0 $0x0, s1;
	[sflag:s0] =	ssyncset.done @!p0 $0x0  }
0x6b: {  	[sflag:s0] =	ssyncadd.s32 @!p0 s1  }
0x6c: {  	[bflag:$0x3] =	sbarrier.arrive $0xFFFF  }
0x6d: {  	_ =	shalt  }

// kernel: kernel.14.cloned.1.call-start
scs
__scs_entry_jumppad:
0x0: {  	(pc) =	sbr.rel $0x88, $3  }
0x1: {  	(tag) =	ssettag $0x0;
	lr =	simm.s32 $0x1  }
0x2: {  	[smem:$0x3F99] =	sst lr;
	_ =	strace $0xD0000000  }
0x3: {  	_ = 	snop  }
0x4: {  	_ = 	snop  }
0x5: {  	_ = 	snop  }
0x6: {  	_ = 	snop  }
0x7: {  	_ = 	snop  }
__scs_overlays_trampoline_lowered:
0x8: {  	[smem:$0x3FA8] =	sst s0  }
0x9: {  	[smem:$0x3FA9] =	sst s1  }
0xa: {  	[smem:$0x3FAA] =	sst s2  }
0xb: {  	[smem:$0x3FAB] =	sst s3  }
0xc: {  	[smem:$0x3FAC] =	sst s4  }
0xd: {  	[smem:$0x3FAD] =	sst s5  }
0xe: {  	[smem:$0x3FAE] =	sst s6  }
0xf: {  	[smem:$0x3FAF] =	sst s7  }
0x10: {  	[smem:$0x3FB0] =	sst s8  }
0x11: {  	[smem:$0x3FB1] =	sst s9;
	s0 =	simm.s32 @!p0 $0x0  }
0x12: {  	s1 =	sld [smem:$0x3F97];
	s0 =	simm.s32 @p0 $0x1  }
0x13: {  	[smem:$0x3FB2] =	sst s0;
	s0 =	simm.s32 @!p1 $0x0  }
0x14: {  	s2 =	sld [smem:$0x3F96];
	s0 =	simm.s32 @p1 $0x1  }
0x15: {  	[smem:$0x3FB3] =	sst s0;
	s0 =	simm.s32 @!p2 $0x0  }
0x16: {  	s3 =	sld [smem:$0x3FDB];
	s0 =	simm.s32 @p2 $0x1  }
0x17: {  	s4 =	simm.s32 $0x1BF5;
	[smem:$0x3FB5] =	sst s0  }
0x18: {  	s0 =	sld [smem:$0x3F98];
	_ =	swait.ge [sflag:s4], $0x0  }
0x19: {  	s7 =	sld [smem:$0x3F99]  }
0x1a: {  	s8 =	sadd.s32 $0xFFFFE003, lr  }
0x1b: {  	s9 =	sadd.s32 $0xFFFFFEF7, lr;
	s5 =	simm.s32 $0xFFFFFFFF;
	p2 =	slt.u32 s8, $0xFFFFF086  }
0x1c: {  	p1 =	slt.u32 s9, $0xF7A;
	s5 =	simm.s32 @!p2 $0x0  }
0x1d: {  	s5 =	simm.s32 @p1 $0x1;
	p0 =	seq.s32 s7, s2  }
0x1e: {  	s7 =	smul.u32 @!p0 $0xF7A, s2;
	p2 =	seq.s32 @!p0 s5, $0x0  }
0x1f: {  	s9 =	smul.u32 $0xF7A, s1;
	s8 =	simm.s32 @!p0 $0x1BF5;
	p2 =	por !p2, p0  }
0x20: {  	[sflag:s8] =	ssyncset.s32 @!p0 $0xFFFFF086;
	s6 =	sadd.s32 @!p0 s3, s7;
	s7 =	simm.s32 @!p0 $0x108  }
0x21: {  	s3 =	sadd.s32 s3, s9;
	s6 =	sadd.s32 @!p0 $0x88, s6;
	s7 =	simm.s32 @p2 $0x1082  }
0x22: {  	[simem:s7], [sflag:s8] =	dma.local @!p0 [hbm:s6], $0xF7A  }
0x23: {  	s9 =	sor.u32 $0xD0000000, s2;
	s6 =	simm.s32 $0x108;
	_ =	swait.ge @!p0 [sflag:s8], $0x0  }
0x24: {  	s3 =	sadd.s32 $0x88, s3;
	s6 =	simm.s32 @!p1 $0x1082;
	[sflag:s4] =	ssyncset.s32 $0xFFFFF086  }
0x25: {  	[simem:s6], [sflag:s4] =	dma.local [hbm:s3], $0xF7A  }
0x26: {  	[smem:$0x3F99] =	sst s1;
	(tag) =	ssettag s2;
	_ =	strace s9  }
0x27: {  	s1 =	sld [smem:$0x3FA9]  }
0x28: {  	s2 =	sld [smem:$0x3FAA]  }
0x29: {  	s4 =	sld [smem:$0x3FAC]  }
0x2a: {  	p0 =	seq.s32 s5, $0x0;
	s5 =	sld [smem:$0x3FAD]  }
0x2b: {  	s6 =	sld [smem:$0x3FAE]  }
0x2c: {  	s7 =	sld [smem:$0x3FAF]  }
0x2d: {  	s3 =	simm.s32 $0x108;
	s8 =	sld [smem:$0x3FB0]  }
0x2e: {  	s3 =	simm.s32 @!p0 $0x1082;
	s9 =	sld [smem:$0x3FB1]  }
0x2f: {  	lr =	sadd.s32 s0, s3;
	s0 =	sld [smem:$0x3FA8]  }
0x30: {  	s3 =	sld [smem:$0x3FAB]  }
0x31: {  	[smem:$0x3FB4] =	sst s10  }
0x32: {  	s10 =	sld [smem:$0x3FB2];
	_ =	sdelay $0x3  }
0x33: {  	p0 =	seq.s32 s10, $0x1;
	s10 =	sld [smem:$0x3FB4];
	_ =	sdelay $0x3  }
0x34: {  	[smem:$0x3FB4] =	sst s10  }
0x35: {  	s10 =	sld [smem:$0x3FB3];
	_ =	sdelay $0x3  }
0x36: {  	p1 =	seq.s32 s10, $0x1;
	s10 =	sld [smem:$0x3FB4];
	_ =	sdelay $0x3  }
0x37: {  	[smem:$0x3FB4] =	sst s10  }
0x38: {  	s10 =	sld [smem:$0x3FB5]  }
0x39: {  	_ = 	snop;
	(pc) =	sbr.ind lr, $3  }
0x3a: {  	_ = 	snop  }
0x3b: {  	_ = 	snop  }
0x3c: {  	p2 =	seq.s32 s10, $0x1;
	s10 =	sld [smem:$0x3FB4]  }
0x3d: {  	_ =	shalt  }
0x3e: {  	_ =	shalt  }
0x3f: {  	_ =	shalt  }
0x40: {  	_ =	shalt  }
0x41: {  	_ =	shalt  }
0x42: {  	_ =	shalt  }
0x43: {  	_ =	shalt  }
0x44: {  	_ =	shalt  }
0x45: {  	_ =	shalt  }
0x46: {  	_ =	shalt  }
0x47: {  	_ =	shalt  }
0x48: {  	_ =	shalt  }
0x49: {  	_ =	shalt  }
0x4a: {  	_ =	shalt  }
0x4b: {  	_ =	shalt  }
0x4c: {  	_ =	shalt  }
0x4d: {  	_ =	shalt  }
0x4e: {  	_ =	shalt  }
0x4f: {  	_ =	shalt  }
0x50: {  	_ =	shalt  }
0x51: {  	_ =	shalt  }
0x52: {  	_ =	shalt  }
0x53: {  	_ =	shalt  }
0x54: {  	_ =	shalt  }
0x55: {  	_ =	shalt  }
0x56: {  	_ =	shalt  }
0x57: {  	_ =	shalt  }
0x58: {  	_ =	shalt  }
0x59: {  	_ =	shalt  }
0x5a: {  	_ =	shalt  }
0x5b: {  	_ =	shalt  }
0x5c: {  	_ =	shalt  }
0x5d: {  	_ =	shalt  }
0x5e: {  	_ =	shalt  }
0x5f: {  	_ =	shalt  }
0x60: {  	_ =	shalt  }
0x61: {  	_ =	shalt  }
0x62: {  	_ =	shalt  }
0x63: {  	_ =	shalt  }
0x64: {  	_ =	shalt  }
0x65: {  	_ =	shalt  }
0x66: {  	_ =	shalt  }
0x67: {  	_ =	shalt  }
0x68: {  	_ =	shalt  }
0x69: {  	_ =	shalt  }
0x6a: {  	_ =	shalt  }
0x6b: {  	_ =	shalt  }
0x6c: {  	_ =	shalt  }
0x6d: {  	_ =	shalt  }
0x6e: {  	_ =	shalt  }
0x6f: {  	_ =	shalt  }
0x70: {  	_ =	shalt  }
0x71: {  	_ =	shalt  }
0x72: {  	_ =	shalt  }
0x73: {  	_ =	shalt  }
0x74: {  	_ =	shalt  }
0x75: {  	_ =	shalt  }
0x76: {  	_ =	shalt  }
0x77: {  	_ =	shalt  }
0x78: {  	_ =	shalt  }
0x79: {  	_ =	shalt  }
0x7a: {  	_ =	shalt  }
0x7b: {  	_ =	shalt  }
0x7c: {  	_ =	shalt  }
0x7d: {  	_ =	shalt  }
0x7e: {  	_ =	shalt  }
0x7f: {  	_ =	shalt  }
0x80: {  	_ =	shalt  }
0x81: {  	_ =	shalt  }
0x82: {  	_ =	shalt  }
0x83: {  	_ =	shalt  }
0x84: {  	_ =	shalt  }
0x85: {  	_ =	shalt  }
0x86: {  	_ =	shalt  }
0x87: {  	_ =	shalt  }
.Lfunc_end0:
.L_simem_size_0:
called_computation.2_lowered:
.L_overlay_start_0:
0x88: {  	s2 =	sld [smem:$0x3FD9]  }
0x89: {  	s3 =	sld [smem:$0x3FFE];
	_ =	sdelay $0x1  }
0x8a: {  	s1 =	srdreg.scid  }
0x8b: {  	s0 =	sand.u32 $0x1, s1  }
0x8c: {  	s14 =	sshll.u32 s0, $0xA;
	s2 =	sadd.s32 s3, s2  }
0x8d: {  	s2 =	sadd.s32 s2, s14  }
0x8e: {  	[smem:$0x3FC0] =	sst s2  }
0x8f: {  	_ = 	snop  }
0x90: {  	s2 =	sld [smem:$0x3FD0];
	_ =	sdelay $0x2  }
0x91: {  	s15 =	simm.s32 $0xA;
	s4 =	simm.s32 $0x10  }
0x92: {  	[smem:s4], [sflag:s15] =	dma.local [hbm:s2], $0x1  }
0x93: {  	_ =	swait.eq [sflag:s15], $0x1  }
0x94: {  	[sflag:s15] =	ssyncset.done $0x0  }
0x95: {  	s16 =	sld [smem:$0x10];
	[sflag:s15] =	ssyncadd.s32 $0xFFFFFFFF  }
0x96: {  	s17 =	sld [smem:$0x11];
	(tm) =	ssettm $0x1  }
0x97: {  	s18 =	sld [smem:$0x3FFB];
	_ =	sdelay $0x3  }
0x98: {  	_ =	strace s18  }
0x99: {  	s4 =	sld [smem:$0x3FFC];
	_ =	sdelay $0x3  }
0x9a: {  	_ =	strace s4  }
0x9b: {  	s4 =	sld [smem:$0x3FFD];
	_ =	sdelay $0x3  }
0x9c: {  	_ =	strace s4  }
0x9d: {  	_ =	strace $0x8FFFFFFF  }
0x9e: {  	s19 =	sld [smem:$0x3FDB];
	_ =	sdelay $0x1  }
0x9f: {  	s5 =	simm.s32 $_scs_section_size  }
0xa0: {  	s6 =	simm.s32 $_size__tile_overlayer_lowered;
	s7 =	simm.s32 $_tile_overlayer_lowered  }
0xa1: {  	s22 =	simm.s32 $0x1BFF;
	s21 =	sshll.u32 s7, $0x1;
	s4 =	sadd.s32 s5, s19  }
0xa2: {  	s8 =	simm.s32 $0x0;
	s20 =	sshll.u32 s6, $0x1;
	s6 =	sadd.s32 s21, s4  }
0xa3: {  	[timem:s8], [sflag:s22] =	dma.local [hbm:s6], s20  }
0xa4: {  	_ =	swait.ge [sflag:s22], s20  }
0xa5: {  	s5 =	ssub.s32 $0x0, s20;
	[sflag:s22] =	ssyncset.done $0x0  }
0xa6: {  	[sflag:s22] =	ssyncadd.s32 s5;
	_ =	sdelay $0x1  }
0xa7: {  	s23 =	simm.s32 $0x1B8B  }
0xa8: {  	_ =	swait.ge [sflag:s23], $0x1  }
0xa9: {  	[sflag:s23] =	ssyncset.done $0x0  }
0xaa: {  	s25 =	simm.s32 $0x1B8E;
	s24 =	sld [smem:$0x3FFE];
	[sflag:s23] =	ssyncadd.s32 $0xFFFFFFFF  }
0xab: {  	s26 =	simm.s32 $execute0_lowered;
	[smem:$0x3FD2] =	sst s25  }
0xac: {  	s6 =	sshll.u32 s26, $0x1;
	_ =	strace $0x8000004C;
	[dreg:$0x1] =	wrdreg $0xFFFFFFFF  }
0xad: {  	s28 =	simm.s32 $_size_execute0_lowered;
	s4 =	sadd.s32 s4, s6;
	[dreg:$0x0] =	wrdreg $0x0  }
0xae: {  	s6 =	sshll.u32 s28, $0x1;
	[dreg:$0x2] =	wrdreg s4  }
0xaf: {  	[dreg:$0x3] =	wrdreg s6  }
0xb0: {  	[dreg:$0x4] =	wrdreg $0xC0  }
0xb1: {  	_ =	task [dreg:s8], $0x5FFFF  }
0xb2: {  	[dreg:$0x1] =	wrdreg $0xFFFFFFFF  }
0xb3: {  	[dreg:$0x0] =	wrdreg $0x60  }
0xb4: {  	[dreg:$0x2] =	wrdreg s24  }
0xb5: {  	[dreg:$0x3] =	wrdreg s17  }
0xb6: {  	[dreg:$0x4] =	wrdreg s16  }
0xb7: {  	[dreg:$0x5] =	wrdreg $0x98000  }
0xb8: {  	[dreg:$0x6] =	wrdreg $0x9  }
0xb9: {  	_ =	task.clear_ibuf [dreg:s8], $0x7FFFF;
	_ =	strace $0x9000004C  }
0xba: {  	s29 =	simm.s32 $0x9;
	_ =	strace $0x8000004E  }
0xbb: {  	_ =	swait.ge [sflag:s29], $0x1  }
0xbc: {  	[sflag:s29] =	ssyncadd.s32 $0xFFFFFFFF  }
0xbd: {  	_ =	strace $0x9000004E  }
0xbe: {  	_ =	sfence  }
0xbf: {  	s30 =	sld [smem:$0x0];
	_ =	sdelay $0x2  }
0xc0: {  	s31 =	sshll.u32 s1, $0xD;
	s1 =	sshrl.u32 s1, $0x2  }
0xc1: {  	s3 =	sand.u32 $0x4000, s31;
	s1 =	sadd.s32 s1, s30  }
0xc2: {  	s0 =	sor.u32 s3, s0;
	s1 =	sshll.u32 s1, $0x11  }
0xc3: {  	s0 =	sor.u32 s1, s0  }
0xc4: {  	s0 =	sadd.s32 $0x8F2B, s0  }
0xc5: {  	[sflag:s0] =	ssyncadd.remote.s32 $0x1  }
0xc6: {  	_ =	sfence.sel $0xFFFF  }
0xc7: {  	[dreg:$0x0] =	wrdreg $0xFFFFFFFF;
	(pc) =	sbr.abs _section_cstart, $3  }
0xc8: {  	[dreg:$0x1] =	wrdreg $0xFFFFFFFF  }
0xc9: {  	_ =	task.clear_ibuf [dreg:s8], $0x2FFFF;
	_ =	strace $0x9FFFFFFF  }
0xca: {  	(tm) =	ssettm $0x7FFFFFFF  }
0xcb: {  	_ =	shalt  }
tec
execute0_lowered:
.L_overlay_start_1:
0x0: {  	(tag) =	ssettag $0x1  }
0x1: {  	s5 =	rddreg [dreg:$0x0]  }
0x2: {  	s6 =	rddreg [dreg:$0x1]  }
0x3: {  	s7 =	rddreg [dreg:$0x2]  }
0x4: {  	s1 =	rddreg [dreg:$0x3];
	s2 =	srdreg.scid  }
0x5: {  	s0 =	rddreg [dreg:$0x4];
	s3 =	simm.s32 $0x0;
	s15 =	simm.s32 $0x2C00  }
0x6: {  	s16 =	simm.s32 $0x5800;
	s17 =	simm.s32 $0x4;
	s8 =	sand.u32 $0x1, s2  }
0x7: {  	s18 =	simm.s32 $0x80;
	s2 =	stileid.u32;
	s9 =	smul.u32 $0x140000, s8  }
0x8: {  	s19 =	simm.s32 $0x1;
	s20 =	simm.s32 $0x2;
	s10 =	smul.u32 $0x14000, s2  }
0x9: {  	s23 =	simm.s32 $0x0;
	[smem:$0x7FF] =	sst s3;
	s11 =	smul.u32 $0x2C00, s2  }
0xa: {  	s4 =	sadd.s32 $0x1C00, s5;
	_ =	strace $0x8000004D;
	s25 =	smul.u32 $0x2C000, s8  }
0xb: {  	s8 =	ssub.s32 $0x2, s8;
	s12 =	smul.u32 $0x50000, s2;
	s21 =	sshll.u32 s2, $0x6  }
0xc: {  	s26 =	sshrl.u32 s8, $0x1;
	s21 =	sor.u32 $0x1C04, s21;
	s9 =	sadd.s32 s10, s9  }
0xd: {  	s28 =	sadd.s32 s11, s25;
	s14 =	ssub.s32 s8, s26;
	s30 =	sshrl.u32 s12, $0x2  }
0xe: {  	s31 =	sshrl.u32 s11, $0x3;
	s9 =	sshrl.u32 s9, $0x3;
	s29 =	sshrl.u32 s28, $0x3  }
0xf: {  	s13 =	sadd.s32 s9, s5;
	s5 =	sadd.s32 s6, s29;
	s6 =	sadd.s32 s30, s1  }
0x10: {  	s7 =	sadd.s32 s7, s31;
	s8 =	sadd.s32 $0x4000, s6;
	s9 =	sadd.s32 $0x8000, s6  }
0x11: {  	s10 =	sadd.s32 $0xC000, s6;
	s11 =	sadd.s32 $0x10000, s6;
	s12 =	sadd.s32 $0x51C00, s13  }
0x12: {  	v0 =	vimm.f32 $0.0e+00;
	s13 =	smax.u32 s14, $0x1;
	s14 =	simm.s32 $0x3;
	s22 =	sshrl.u32 s6, $0x3  }
.LBB2_1:
0x13: {  	[tilespmem:s3], [sflag:$0x3] =	stream.linear.gather [hbm4b:s5+s3], $0x2A00, $0x38;
	[tilespmem:$0x1D800] =	vst v63  }
0x14: {  	_ =	swait.ge [sflag:s14], $0x2A00  }
0x15: {  	[sflag:s14] =	ssyncset.done $0x0  }
0x16: {  	[sflag:s14] =	ssyncadd.s32 $0xFFFFD600  }
0x17: {  	[tilespmem:s15], [sflag:$0x3] =	stream.linear.gather [hbm4b:s7+s3], $0x2A00, $0x38;
	[tilespmem:$0x1D800] =	vst v63  }
0x18: {  	_ =	swait.ge [sflag:s14], $0x2A00  }
0x19: {  	[sflag:s14] =	ssyncset.done $0x0  }
0x1a: {  	s24 =	simm.s32 $0x0;
	s25 =	simm.s32 $0x200;
	[sflag:s14] =	ssyncadd.s32 $0xFFFFD600  }
.LBB2_2:
0x1b: {  	p0 =	sne.s32 s25, $0xFE00;
	[tilespmem:s24+$0x5870] =	vst v0  }
0x1c: {  	[tilespmem:s24+$0x5800] =	vst v0  }
0x1d: {  	[tilespmem:s24+$0x5810] =	vst v0  }
.Ltmp0:
0x1e: {  	[tilespmem:s24+$0x5820] =	vst v0;
	(pc) =	sbr.rel @p0 .LBB2_2-.Ltmp0, $4  }
0x1f: {  	[tilespmem:s24+$0x5830] =	vst v0  }
0x20: {  	[tilespmem:s24+$0x5840] =	vst v0  }
0x21: {  	[tilespmem:s24+$0x5850] =	vst v0  }
0x22: {  	[tilespmem:s24+$0x5860] =	vst v0;
	s24 =	sshra.s32 s25, $0x2;
	s25 =	sadd.s32 $0x200, s25  }
0x23: {  	[tilespmem:s24+$0x5870] =	vst v0  }
0x24: {  	[tilespmem:s24+$0x5800] =	vst v0  }
0x25: {  	[tilespmem:s24+$0x5810] =	vst v0  }
0x26: {  	[tilespmem:s24+$0x5820] =	vst v0  }
0x27: {  	[tilespmem:s24+$0x5830] =	vst v0  }
0x28: {  	[tilespmem:s24+$0x5840] =	vst v0  }
0x29: {  	[tilespmem:s24+$0x5850] =	vst v0  }
0x2a: {  	[tilespmem:s24+$0x5860] =	vst v0  }
0x2b: {  	[spmem:s6] =	stream.linear.scatter [tilespmem:s16], [sflag:$0x4], $0x4000, $0x38;
	[tilespmem:$0x1D800] =	vst v63  }
0x2c: {  	_ =	swait.ge [sflag:s17], $0x4000  }
0x2d: {  	[sflag:s17] =	ssyncset.done $0x0  }
0x2e: {  	[sflag:s17] =	ssyncadd.s32 $0xFFFFC000  }
0x2f: {  	[spmem:s8] =	stream.linear.scatter [tilespmem:s16], [sflag:$0x4], $0x4000, $0x38;
	[tilespmem:$0x1D800] =	vst v63  }
0x30: {  	_ =	swait.ge [sflag:s17], $0x4000  }
0x31: {  	[sflag:s17] =	ssyncset.done $0x0  }
0x32: {  	[sflag:s17] =	ssyncadd.s32 $0xFFFFC000  }
0x33: {  	[spmem:s9] =	stream.linear.scatter [tilespmem:s16], [sflag:$0x4], $0x4000, $0x38;
	[tilespmem:$0x1D800] =	vst v63  }
0x34: {  	_ =	swait.ge [sflag:s17], $0x4000  }
0x35: {  	[sflag:s17] =	ssyncset.done $0x0  }
0x36: {  	[sflag:s17] =	ssyncadd.s32 $0xFFFFC000  }
0x37: {  	[spmem:s10] =	stream.linear.scatter [tilespmem:s16], [sflag:$0x4], $0x4000, $0x38;
	[tilespmem:$0x1D800] =	vst v63  }
0x38: {  	_ =	swait.ge [sflag:s17], $0x4000  }
0x39: {  	[sflag:s17] =	ssyncset.done $0x0  }
0x3a: {  	[sflag:s17] =	ssyncadd.s32 $0xFFFFC000  }
0x3b: {  	[spmem:s11] =	stream.linear.scatter [tilespmem:s16], [sflag:$0x4], $0x4000, $0x38;
	[tilespmem:$0x1D800] =	vst v63  }
0x3c: {  	_ =	swait.ge [sflag:s17], $0x4000  }
0x3d: {  	[sflag:s17] =	ssyncset.done $0x0  }
0x3e: {  	[sflag:s17] =	ssyncadd.s32 $0xFFFFC000  }
0x3f: {  	s30 =	simm.s32 $0x0;
	[bflag:$0x0] =	sbarrier.arrive $0xFFFF  }
0x40: {  	[tilespmem:s16], [sflag:$0x1] =	stream.indirect.gather [hbm4b:s4+s18], $0x80, s30, s18, $0xb8;
	[tilespmem:$0x1D800] =	vst v63  }
0x41: {  	_ =	swait.ge [sflag:s19], $0x4000  }
0x42: {  	[sflag:s19] =	ssyncset.done $0x0  }
0x43: {  	s31 =	simm.s32 $0x2C00;
	[sflag:s19] =	ssyncadd.s32 $0xFFFFC000  }
0x44: {  	[spmem:s1] =	stream.indirect.scatter.add.f32 [tilespmem:s16], [sflag:$0x2], $0x80, s31, s18, $0xb8;
	[tilespmem:$0x1D800] =	vst v63  }
0x45: {  	_ =	swait.ge [sflag:s20], $0x4000  }
0x46: {  	s24 =	simm.s32 $0x200;
	s25 =	simm.s32 $0x400;
	[sflag:s20] =	ssyncset.done $0x0  }
.LBB2_4:
0x47: {  	s26 =	sshra.s32 s24, $0x2  }
0x48: {  	[sflag:s20] =	ssyncadd.s32 $0xFFFFC000;
	s24 =	smov.u32 s25;
	s28 =	sadd.s32 $0x200, s25  }
0x49: {  	[tilespmem:s16], [sflag:$0x1] =	stream.indirect.gather [hbm4b:s4+s18], $0x80, s26, s18, $0xb8;
	[tilespmem:$0x1D800] =	vst v63  }
0x4a: {  	p0 =	sne.s32 s25, $0xA600;
	_ =	swait.ge [sflag:s19], $0x4000  }
.Ltmp1:
0x4b: {  	[sflag:s19] =	ssyncset.done $0x0;
	(pc) =	sbr.rel @p0 .LBB2_4-.Ltmp1, $4  }
0x4c: {  	s25 =	sadd.s32 $0x2C00, s26;
	[sflag:s19] =	ssyncadd.s32 $0xFFFFC000  }
0x4d: {  	[spmem:s1] =	stream.indirect.scatter.add.f32 [tilespmem:s16], [sflag:$0x2], $0x80, s25, s18, $0xb8;
	[tilespmem:$0x1D800] =	vst v63  }
0x4e: {  	_ =	swait.ge [sflag:s20], $0x4000  }
0x4f: {  	s25 =	smov.u32 s28;
	[sflag:s20] =	ssyncset.done $0x0  }
0x50: {  	s24 =	sshra.s32 s24, $0x2;
	[sflag:s20] =	ssyncadd.s32 $0xFFFFC000  }
0x51: {  	[tilespmem:s16], [sflag:$0x1] =	stream.indirect.gather [hbm4b:s4+s18], $0x80, s24, s18, $0xb8;
	[tilespmem:$0x1D800] =	vst v63  }
0x52: {  	_ =	swait.ge [sflag:s19], $0x4000  }
0x53: {  	[sflag:s19] =	ssyncset.done $0x0  }
0x54: {  	s24 =	sadd.s32 $0x2C00, s24;
	[sflag:s19] =	ssyncadd.s32 $0xFFFFC000  }
0x55: {  	[spmem:s1] =	stream.indirect.scatter.add.f32 [tilespmem:s16], [sflag:$0x2], $0x80, s24, s18, $0xb8;
	[tilespmem:$0x1D800] =	vst v63  }
0x56: {  	_ =	swait.ge [sflag:s20], $0x4000  }
0x57: {  	s23 =	sadd.s32 $0x1, s23;
	[sflag:s20] =	ssyncset.done $0x0  }
0x58: {  	p0 =	sne.s32 s23, s13;
	[sflag:s20] =	ssyncadd.s32 $0xFFFFC000  }
.Ltmp2:
0x59: {  	[bflag:$0x0] =	sbarrier.arrive $0xFFFF;
	(pc) =	sbr.rel @p0 .LBB2_1-.Ltmp2, $4  }
0x5a: {  	[hbm:s12], [sflag:s21] =	dma.local [spmem:s22], $0x2800  }
0x5b: {  	_ =	swait.ge [sflag:s17], $0x2800  }
0x5c: {  	[sflag:s17] =	ssyncset.done $0x0  }
0x5d: {  	[sflag:s17] =	ssyncadd.s32 $0xFFFFD800  }
0x5e: {  	_ =	sfence.sel $0x180000  }
0x5f: {  	[bflag:$0x0] =	sbarrier.arrive $0xFFFF  }
0x60: {  	p0 =	sne.s32 s2, $0x0;
	_ =	strace $0x9000004D  }
0x61: {  	s0 =	sadd.s32 @!p0 $0x100000, s0;
	[bflag:$0x2] =	sbarrier.arrive $0xFFFF  }
0x62: {  	[sflag:s0] =	ssyncadd.tile.s32 @!p0 $0x1;
	_ =	shalt  }
.Lfunc_end2:
_tile_overlayer_lowered:
.L_overlay_start_2:
0x63: {  	(tag) =	ssettag $0x2  }
0x64: {  	s0 =	rddreg [dreg:$0x0];
	s2 =	stileid.u32  }
0x65: {  	s1 =	rddreg [dreg:$0x1];
	p0 =	sne.s32 s2, $0x0  }
0x66: {  	s3 =	rddreg [dreg:$0x2];
	[bflag:$0x3] =	sbarrier.arrive $0xFFFF;
	s2 =	simm.s32 @!p0 $0x1C04  }
0x67: {  	[timem:s3], [sflag:s2] =	dma.local @!p0 [hbm:s0], s1  }
0x68: {  	s0 =	simm.s32 @!p0 $0x4  }
0x69: {  	_ =	swait.ge @!p0 [sflag:s0], s1  }
0x6a: {  	s1 =	ssub.s32 @!p0 $0x0, s1;
	[sflag:s0] =	ssyncset.done @!p0 $0x0  }
0x6b: {  	[sflag:s0] =	ssyncadd.s32 @!p0 s1  }
0x6c: {  	[bflag:$0x3] =	sbarrier.arrive $0xFFFF  }
0x6d: {  	_ =	shalt  }

// kernel: kernel.8.cloned.1.call-start
scs
__scs_entry_jumppad:
0x0: {  	(pc) =	sbr.rel $0x88, $3  }
0x1: {  	(tag) =	ssettag $0x0;
	lr =	simm.s32 $0x1  }
0x2: {  	[smem:$0x3F99] =	sst lr;
	_ =	strace $0xD0000000  }
0x3: {  	_ = 	snop  }
0x4: {  	_ = 	snop  }
0x5: {  	_ = 	snop  }
0x6: {  	_ = 	snop  }
0x7: {  	_ = 	snop  }
__scs_overlays_trampoline_lowered:
0x8: {  	[smem:$0x3FA8] =	sst s0  }
0x9: {  	[smem:$0x3FA9] =	sst s1  }
0xa: {  	[smem:$0x3FAA] =	sst s2  }
0xb: {  	[smem:$0x3FAB] =	sst s3  }
0xc: {  	[smem:$0x3FAC] =	sst s4  }
0xd: {  	[smem:$0x3FAD] =	sst s5  }
0xe: {  	[smem:$0x3FAE] =	sst s6  }
0xf: {  	[smem:$0x3FAF] =	sst s7  }
0x10: {  	[smem:$0x3FB0] =	sst s8  }
0x11: {  	[smem:$0x3FB1] =	sst s9;
	s0 =	simm.s32 @!p0 $0x0  }
0x12: {  	s1 =	sld [smem:$0x3F97];
	s0 =	simm.s32 @p0 $0x1  }
0x13: {  	[smem:$0x3FB2] =	sst s0;
	s0 =	simm.s32 @!p1 $0x0  }
0x14: {  	s2 =	sld [smem:$0x3F96];
	s0 =	simm.s32 @p1 $0x1  }
0x15: {  	[smem:$0x3FB3] =	sst s0;
	s0 =	simm.s32 @!p2 $0x0  }
0x16: {  	s3 =	sld [smem:$0x3FDB];
	s0 =	simm.s32 @p2 $0x1  }
0x17: {  	s4 =	simm.s32 $0x1BF5;
	[smem:$0x3FB5] =	sst s0  }
0x18: {  	s0 =	sld [smem:$0x3F98];
	_ =	swait.ge [sflag:s4], $0x0  }
0x19: {  	s7 =	sld [smem:$0x3F99]  }
0x1a: {  	s8 =	sadd.s32 $0xFFFFE003, lr  }
0x1b: {  	s9 =	sadd.s32 $0xFFFFFEF7, lr;
	s5 =	simm.s32 $0xFFFFFFFF;
	p2 =	slt.u32 s8, $0xFFFFF086  }
0x1c: {  	p1 =	slt.u32 s9, $0xF7A;
	s5 =	simm.s32 @!p2 $0x0  }
0x1d: {  	s5 =	simm.s32 @p1 $0x1;
	p0 =	seq.s32 s7, s2  }
0x1e: {  	s7 =	smul.u32 @!p0 $0xF7A, s2;
	p2 =	seq.s32 @!p0 s5, $0x0  }
0x1f: {  	s9 =	smul.u32 $0xF7A, s1;
	s8 =	simm.s32 @!p0 $0x1BF5;
	p2 =	por !p2, p0  }
0x20: {  	[sflag:s8] =	ssyncset.s32 @!p0 $0xFFFFF086;
	s6 =	sadd.s32 @!p0 s3, s7;
	s7 =	simm.s32 @!p0 $0x108  }
0x21: {  	s3 =	sadd.s32 s3, s9;
	s6 =	sadd.s32 @!p0 $0x88, s6;
	s7 =	simm.s32 @p2 $0x1082  }
0x22: {  	[simem:s7], [sflag:s8] =	dma.local @!p0 [hbm:s6], $0xF7A  }
0x23: {  	s9 =	sor.u32 $0xD0000000, s2;
	s6 =	simm.s32 $0x108;
	_ =	swait.ge @!p0 [sflag:s8], $0x0  }
0x24: {  	s3 =	sadd.s32 $0x88, s3;
	s6 =	simm.s32 @!p1 $0x1082;
	[sflag:s4] =	ssyncset.s32 $0xFFFFF086  }
0x25: {  	[simem:s6], [sflag:s4] =	dma.local [hbm:s3], $0xF7A  }
0x26: {  	[smem:$0x3F99] =	sst s1;
	(tag) =	ssettag s2;
	_ =	strace s9  }
0x27: {  	s1 =	sld [smem:$0x3FA9]  }
0x28: {  	s2 =	sld [smem:$0x3FAA]  }
0x29: {  	s4 =	sld [smem:$0x3FAC]  }
0x2a: {  	p0 =	seq.s32 s5, $0x0;
	s5 =	sld [smem:$0x3FAD]  }
0x2b: {  	s6 =	sld [smem:$0x3FAE]  }
0x2c: {  	s7 =	sld [smem:$0x3FAF]  }
0x2d: {  	s3 =	simm.s32 $0x108;
	s8 =	sld [smem:$0x3FB0]  }
0x2e: {  	s3 =	simm.s32 @!p0 $0x1082;
	s9 =	sld [smem:$0x3FB1]  }
0x2f: {  	lr =	sadd.s32 s0, s3;
	s0 =	sld [smem:$0x3FA8]  }
0x30: {  	s3 =	sld [smem:$0x3FAB]  }
0x31: {  	[smem:$0x3FB4] =	sst s10  }
0x32: {  	s10 =	sld [smem:$0x3FB2];
	_ =	sdelay $0x3  }
0x33: {  	p0 =	seq.s32 s10, $0x1;
	s10 =	sld [smem:$0x3FB4];
	_ =	sdelay $0x3  }
0x34: {  	[smem:$0x3FB4] =	sst s10  }
0x35: {  	s10 =	sld [smem:$0x3FB3];
	_ =	sdelay $0x3  }
0x36: {  	p1 =	seq.s32 s10, $0x1;
	s10 =	sld [smem:$0x3FB4];
	_ =	sdelay $0x3  }
0x37: {  	[smem:$0x3FB4] =	sst s10  }
0x38: {  	s10 =	sld [smem:$0x3FB5]  }
0x39: {  	_ = 	snop;
	(pc) =	sbr.ind lr, $3  }
0x3a: {  	_ = 	snop  }
0x3b: {  	_ = 	snop  }
0x3c: {  	p2 =	seq.s32 s10, $0x1;
	s10 =	sld [smem:$0x3FB4]  }
0x3d: {  	_ =	shalt  }
0x3e: {  	_ =	shalt  }
0x3f: {  	_ =	shalt  }
0x40: {  	_ =	shalt  }
0x41: {  	_ =	shalt  }
0x42: {  	_ =	shalt  }
0x43: {  	_ =	shalt  }
0x44: {  	_ =	shalt  }
0x45: {  	_ =	shalt  }
0x46: {  	_ =	shalt  }
0x47: {  	_ =	shalt  }
0x48: {  	_ =	shalt  }
0x49: {  	_ =	shalt  }
0x4a: {  	_ =	shalt  }
0x4b: {  	_ =	shalt  }
0x4c: {  	_ =	shalt  }
0x4d: {  	_ =	shalt  }
0x4e: {  	_ =	shalt  }
0x4f: {  	_ =	shalt  }
0x50: {  	_ =	shalt  }
0x51: {  	_ =	shalt  }
0x52: {  	_ =	shalt  }
0x53: {  	_ =	shalt  }
0x54: {  	_ =	shalt  }
0x55: {  	_ =	shalt  }
0x56: {  	_ =	shalt  }
0x57: {  	_ =	shalt  }
0x58: {  	_ =	shalt  }
0x59: {  	_ =	shalt  }
0x5a: {  	_ =	shalt  }
0x5b: {  	_ =	shalt  }
0x5c: {  	_ =	shalt  }
0x5d: {  	_ =	shalt  }
0x5e: {  	_ =	shalt  }
0x5f: {  	_ =	shalt  }
0x60: {  	_ =	shalt  }
0x61: {  	_ =	shalt  }
0x62: {  	_ =	shalt  }
0x63: {  	_ =	shalt  }
0x64: {  	_ =	shalt  }
0x65: {  	_ =	shalt  }
0x66: {  	_ =	shalt  }
0x67: {  	_ =	shalt  }
0x68: {  	_ =	shalt  }
0x69: {  	_ =	shalt  }
0x6a: {  	_ =	shalt  }
0x6b: {  	_ =	shalt  }
0x6c: {  	_ =	shalt  }
0x6d: {  	_ =	shalt  }
0x6e: {  	_ =	shalt  }
0x6f: {  	_ =	shalt  }
0x70: {  	_ =	shalt  }
0x71: {  	_ =	shalt  }
0x72: {  	_ =	shalt  }
0x73: {  	_ =	shalt  }
0x74: {  	_ =	shalt  }
0x75: {  	_ =	shalt  }
0x76: {  	_ =	shalt  }
0x77: {  	_ =	shalt  }
0x78: {  	_ =	shalt  }
0x79: {  	_ =	shalt  }
0x7a: {  	_ =	shalt  }
0x7b: {  	_ =	shalt  }
0x7c: {  	_ =	shalt  }
0x7d: {  	_ =	shalt  }
0x7e: {  	_ =	shalt  }
0x7f: {  	_ =	shalt  }
0x80: {  	_ =	shalt  }
0x81: {  	_ =	shalt  }
0x82: {  	_ =	shalt  }
0x83: {  	_ =	shalt  }
0x84: {  	_ =	shalt  }
0x85: {  	_ =	shalt  }
0x86: {  	_ =	shalt  }
0x87: {  	_ =	shalt  }
.Lfunc_end0:
.L_simem_size_0:
called_computation_lowered:
.L_overlay_start_0:
0x88: {  	s2 =	sld [smem:$0x3FD9]  }
0x89: {  	s3 =	sld [smem:$0x3FFE];
	_ =	sdelay $0x1  }
0x8a: {  	s1 =	srdreg.scid  }
0x8b: {  	s0 =	sand.u32 $0x1, s1  }
0x8c: {  	s14 =	sshll.u32 s0, $0xA;
	s2 =	sadd.s32 s3, s2  }
0x8d: {  	s2 =	sadd.s32 s2, s14  }
0x8e: {  	[smem:$0x3FC0] =	sst s2  }
0x8f: {  	_ = 	snop  }
0x90: {  	s2 =	sld [smem:$0x3FD0];
	_ =	sdelay $0x2  }
0x91: {  	s15 =	simm.s32 $0xA;
	s4 =	simm.s32 $0x10  }
0x92: {  	[smem:s4], [sflag:s15] =	dma.local [hbm:s2], $0x1  }
0x93: {  	_ =	swait.eq [sflag:s15], $0x1  }
0x94: {  	[sflag:s15] =	ssyncset.done $0x0  }
0x95: {  	[sflag:s15] =	ssyncadd.s32 $0xFFFFFFFF  }
0x96: {  	s16 =	sld [smem:$0x10];
	(tm) =	ssettm $0x1  }
0x97: {  	s17 =	sld [smem:$0x3FFB];
	_ =	sdelay $0x3  }
0x98: {  	_ =	strace s17  }
0x99: {  	s3 =	sld [smem:$0x3FFC];
	_ =	sdelay $0x3  }
0x9a: {  	_ =	strace s3  }
0x9b: {  	s3 =	sld [smem:$0x3FFD];
	_ =	sdelay $0x3  }
0x9c: {  	_ =	strace s3  }
0x9d: {  	_ =	strace $0x8FFFFFFF  }
0x9e: {  	s18 =	sld [smem:$0x3FDB];
	_ =	sdelay $0x1  }
0x9f: {  	s19 =	simm.s32 $_scs_section_size  }
0xa0: {  	s5 =	simm.s32 $_size__tile_overlayer_lowered;
	s6 =	simm.s32 $_tile_overlayer_lowered  }
0xa1: {  	s22 =	simm.s32 $0x1BFF;
	s21 =	sshll.u32 s6, $0x1;
	s3 =	sadd.s32 s19, s18  }
0xa2: {  	s7 =	simm.s32 $0x0;
	s20 =	sshll.u32 s5, $0x1;
	s5 =	sadd.s32 s21, s3  }
0xa3: {  	[timem:s7], [sflag:s22] =	dma.local [hbm:s5], s20  }
0xa4: {  	_ =	swait.ge [sflag:s22], s20  }
0xa5: {  	s4 =	ssub.s32 $0x0, s20;
	[sflag:s22] =	ssyncset.done $0x0  }
0xa6: {  	[sflag:s22] =	ssyncadd.s32 s4;
	_ =	sdelay $0x1  }
0xa7: {  	s23 =	simm.s32 $0x1B8B  }
0xa8: {  	_ =	swait.ge [sflag:s23], $0x1  }
0xa9: {  	[sflag:s23] =	ssyncset.done $0x0  }
0xaa: {  	s25 =	simm.s32 $0x1B8E;
	s24 =	sld [smem:$0x3FFE];
	[sflag:s23] =	ssyncadd.s32 $0xFFFFFFFF  }
0xab: {  	s26 =	simm.s32 $execute0_lowered;
	[smem:$0x3FD2] =	sst s25  }
0xac: {  	s5 =	sshll.u32 s26, $0x1;
	_ =	strace $0x80000046;
	[dreg:$0x1] =	wrdreg $0xFFFFFFFF  }
0xad: {  	s28 =	simm.s32 $_size_execute0_lowered;
	s3 =	sadd.s32 s3, s5;
	[dreg:$0x0] =	wrdreg $0x0  }
0xae: {  	s5 =	sshll.u32 s28, $0x1;
	[dreg:$0x2] =	wrdreg s3  }
0xaf: {  	[dreg:$0x3] =	wrdreg s5  }
0xb0: {  	[dreg:$0x4] =	wrdreg $0xC0  }
0xb1: {  	_ =	task [dreg:s7], $0x5FFFF  }
0xb2: {  	[dreg:$0x1] =	wrdreg $0xFFFFFFFF  }
0xb3: {  	[dreg:$0x0] =	wrdreg $0x60  }
0xb4: {  	[dreg:$0x2] =	wrdreg s16  }
0xb5: {  	[dreg:$0x3] =	wrdreg s24  }
0xb6: {  	[dreg:$0x4] =	wrdreg $0x2F000  }
0xb7: {  	[dreg:$0x5] =	wrdreg $0x9  }
0xb8: {  	_ =	task.clear_ibuf [dreg:s7], $0x6FFFF;
	_ =	strace $0x90000046  }
0xb9: {  	s29 =	simm.s32 $0x9;
	_ =	strace $0x80000048  }
0xba: {  	_ =	swait.ge [sflag:s29], $0x1  }
0xbb: {  	[sflag:s29] =	ssyncadd.s32 $0xFFFFFFFF  }
0xbc: {  	_ =	strace $0x90000048  }
0xbd: {  	_ =	sfence  }
0xbe: {  	s30 =	sld [smem:$0x0];
	_ =	sdelay $0x2  }
0xbf: {  	s31 =	sshll.u32 s1, $0xD;
	s1 =	sshrl.u32 s1, $0x2  }
0xc0: {  	s3 =	sand.u32 $0x4000, s31;
	s1 =	sadd.s32 s1, s30  }
0xc1: {  	s0 =	sor.u32 s3, s0;
	s1 =	sshll.u32 s1, $0x11  }
0xc2: {  	s0 =	sor.u32 s1, s0  }
0xc3: {  	s0 =	sadd.s32 $0x8F2B, s0  }
0xc4: {  	[sflag:s0] =	ssyncadd.remote.s32 $0x1  }
0xc5: {  	_ =	sfence.sel $0xFFFF  }
0xc6: {  	[dreg:$0x0] =	wrdreg $0xFFFFFFFF;
	(pc) =	sbr.abs _section_cstart, $3  }
0xc7: {  	[dreg:$0x1] =	wrdreg $0xFFFFFFFF  }
0xc8: {  	_ =	task.clear_ibuf [dreg:s7], $0x2FFFF;
	_ =	strace $0x9FFFFFFF  }
0xc9: {  	(tm) =	ssettm $0x7FFFFFFF  }
tec
execute0_lowered:
.L_overlay_start_1:
0x0: {  	(tag) =	ssettag $0x1  }
0x1: {  	s4 =	rddreg [dreg:$0x0]  }
0x2: {  	s5 =	rddreg [dreg:$0x1]  }
0x3: {  	s2 =	rddreg [dreg:$0x2]  }
0x4: {  	s0 =	rddreg [dreg:$0x3]  }
0x5: {  	s1 =	stileid.u32;
	s3 =	simm.s32 $0x0;
	s7 =	srdreg.scid  }
0x6: {  	s10 =	simm.s32 $0x2;
	s12 =	simm.s32 $0x2C00;
	s15 =	simm.s32 $0x0  }
0x7: {  	s6 =	smul.u32 $0x280, s1;
	[smem:$0x7FF] =	sst s3;
	s11 =	sand.u32 $0x1, s7  }
0x8: {  	s9 =	smul.u32 $0x580, s1;
	s8 =	ssub.s32 $0x2, s11;
	_ =	strace $0x80000047  }
0x9: {  	p0 =	sne.s32 s11, $0x0;
	s11 =	simm.s32 $0x80;
	s30 =	sshrl.u32 s6, $0x3  }
0xa: {  	s31 =	sshrl.u32 s8, $0x1;
	s4 =	sadd.s32 s4, s9;
	s9 =	simm.s32 $0x2C80  }
0xb: {  	s13 =	sshll.u32 @!p0 s1, $0x6;
	s7 =	sadd.s32 s30, s5;
	s8 =	ssub.s32 s8, s31  }
0xc: {  	s5 =	sadd.s32 s6, s2;
	s13 =	sor.u32 @!p0 $0x1C02, s13;
	s6 =	sadd.s32 $0x1C00, s7  }
0xd: {  	v0 =	vimm.f32 $1.000000000e+00;
	v1 =	vimm.f32 $0.0e+00;
	s7 =	smax.u32 s8, $0x1;
	s8 =	simm.s32 $0x1;
	s14 =	sshrl.u32 @!p0 s5, $0x3  }
.LBB2_1:
0xe: {  	[tilespmem:s3], [sflag:$0x1] =	stream.linear.gather [hbm4b:s4+s3], $0x2A00, $0x38;
	[tilespmem:$0x3180] =	vst v63  }
0xf: {  	_ =	swait.ge [sflag:s8], $0x2A00  }
0x10: {  	[sflag:s8] =	ssyncset.done $0x0  }
0x11: {  	[sflag:s8] =	ssyncadd.s32 $0xFFFFD600  }
0x12: {  	[tilespmem:$0x2C00] =	vst v0  }
0x13: {  	[tilespmem:$0x2C10] =	vst v0  }
0x14: {  	[tilespmem:$0x2C20] =	vst v0  }
0x15: {  	[tilespmem:$0x2C30] =	vst v0  }
0x16: {  	[tilespmem:$0x2C40] =	vst v0  }
0x17: {  	[tilespmem:$0x2C50] =	vst v0  }
0x18: {  	[tilespmem:$0x2C60] =	vst v0  }
0x19: {  	[tilespmem:$0x2C70] =	vst v0  }
0x1a: {  	[tilespmem:$0x2C80] =	vst v1  }
0x1b: {  	[tilespmem:$0x2C90] =	vst v1  }
0x1c: {  	[tilespmem:$0x2CA0] =	vst v1  }
0x1d: {  	[tilespmem:$0x2CB0] =	vst v1  }
0x1e: {  	[tilespmem:$0x2CC0] =	vst v1  }
0x1f: {  	[tilespmem:$0x2CD0] =	vst v1  }
0x20: {  	[tilespmem:$0x2CE0] =	vst v1  }
0x21: {  	[tilespmem:$0x2CF0] =	vst v1  }
0x22: {  	[tilespmem:$0x2D00] =	vst v1  }
0x23: {  	[tilespmem:$0x2D10] =	vst v1  }
0x24: {  	[tilespmem:$0x2D20] =	vst v1  }
0x25: {  	[tilespmem:$0x2D30] =	vst v1  }
0x26: {  	[tilespmem:$0x2D40] =	vst v1  }
0x27: {  	[tilespmem:$0x2D50] =	vst v1  }
0x28: {  	[tilespmem:$0x2D60] =	vst v1  }
0x29: {  	[tilespmem:$0x2D70] =	vst v1  }
0x2a: {  	[tilespmem:$0x2D80] =	vst v1  }
0x2b: {  	[tilespmem:$0x2D90] =	vst v1  }
0x2c: {  	[tilespmem:$0x2DA0] =	vst v1  }
0x2d: {  	[tilespmem:$0x2DB0] =	vst v1  }
0x2e: {  	[tilespmem:$0x2DC0] =	vst v1  }
0x2f: {  	[tilespmem:$0x2DD0] =	vst v1  }
0x30: {  	[tilespmem:$0x2DE0] =	vst v1  }
0x31: {  	[tilespmem:$0x2DF0] =	vst v1  }
0x32: {  	[tilespmem:$0x2E00] =	vst v1  }
0x33: {  	[tilespmem:$0x2E10] =	vst v1  }
0x34: {  	[tilespmem:$0x2E20] =	vst v1  }
0x35: {  	[tilespmem:$0x2E30] =	vst v1  }
0x36: {  	[tilespmem:$0x2E40] =	vst v1  }
0x37: {  	[tilespmem:$0x2E50] =	vst v1  }
0x38: {  	[tilespmem:$0x2E60] =	vst v1  }
0x39: {  	[tilespmem:$0x2E70] =	vst v1  }
0x3a: {  	[tilespmem:$0x2E80] =	vst v1  }
0x3b: {  	[tilespmem:$0x2E90] =	vst v1  }
0x3c: {  	[tilespmem:$0x2EA0] =	vst v1  }
0x3d: {  	[tilespmem:$0x2EB0] =	vst v1  }
0x3e: {  	[tilespmem:$0x2EC0] =	vst v1  }
0x3f: {  	[tilespmem:$0x2ED0] =	vst v1  }
0x40: {  	[tilespmem:$0x2EE0] =	vst v1  }
0x41: {  	[tilespmem:$0x2EF0] =	vst v1  }
0x42: {  	[spmem:s5] =	stream.linear.scatter [tilespmem:s9], [sflag:$0x2], $0x280, $0x38;
	[tilespmem:$0x3180] =	vst v63  }
0x43: {  	_ =	swait.ge [sflag:s10], $0x280  }
0x44: {  	[sflag:s10] =	ssyncset.done $0x0  }
0x45: {  	[sflag:s10] =	ssyncadd.s32 $0xFFFFFD80  }
0x46: {  	s16 =	simm.s32 $0x0;
	[bflag:$0x0] =	sbarrier.arrive $0xFFFF  }
0x47: {  	[spmem:s2] =	stream.indirect.scatter.add.f32 [tilespmem:s12], [sflag:$0x2], $0x1, s16, s11, $0xb8;
	[tilespmem:$0x3180] =	vst v63  }
0x48: {  	_ =	swait.ge [sflag:s10], $0x80  }
0x49: {  	s16 =	simm.s32 $0x200;
	[sflag:s10] =	ssyncset.done $0x0  }
.LBB2_2:
0x4a: {  	s17 =	sshra.s32 s16, $0x2;
	[sflag:s10] =	ssyncadd.s32 $0xFFFFFF80;
	p1 =	sne.s32 s16, $0xA600  }
0x4b: {  	[spmem:s2] =	stream.indirect.scatter.add.f32 [tilespmem:s12], [sflag:$0x2], $0x1, s17, s11, $0xb8;
	[tilespmem:$0x3180] =	vst v63  }
.Ltmp0:
0x4c: {  	_ = 	snop;
	(pc) =	sbr.rel @p1 .LBB2_2-.Ltmp0, $4  }
0x4d: {  	_ = 	snop  }
0x4e: {  	s16 =	sadd.s32 $0x200, s16  }
0x4f: {  	_ =	swait.ge [sflag:s10], $0x80  }
0x50: {  	[sflag:s10] =	ssyncset.done $0x0  }
0x51: {  	s15 =	sadd.s32 $0x1, s15  }
0x52: {  	[sflag:s10] =	ssyncadd.s32 $0xFFFFFF80;
	p1 =	sne.s32 s15, s7  }
.Ltmp1:
0x53: {  	s16 =	simm.s32 @!p0 $0x2;
	[bflag:$0x0] =	sbarrier.arrive $0xFFFF;
	(pc) =	sbr.rel @p1 .LBB2_1-.Ltmp1, $4  }
0x54: {  	[hbm:s6], [sflag:s13] =	dma.local @!p0 [spmem:s14], $0x50  }
0x55: {  	_ =	swait.ge @!p0 [sflag:s16], $0x50  }
0x56: {  	[sflag:s16] =	ssyncset.done @!p0 $0x0  }
0x57: {  	[sflag:s16] =	ssyncadd.s32 @!p0 $0xFFFFFFB0  }
0x58: {  	_ =	sfence.sel $0x180000  }
0x59: {  	[bflag:$0x0] =	sbarrier.arrive $0xFFFF  }
0x5a: {  	p0 =	sne.s32 s1, $0x0;
	_ =	strace $0x90000047  }
0x5b: {  	s0 =	sadd.s32 @!p0 $0x100000, s0;
	[bflag:$0x2] =	sbarrier.arrive $0xFFFF  }
0x5c: {  	[sflag:s0] =	ssyncadd.tile.s32 @!p0 $0x1;
	_ =	shalt  }
.Lfunc_end2:
_tile_overlayer_lowered:
.L_overlay_start_2:
0x5d: {  	(tag) =	ssettag $0x2  }
0x5e: {  	s0 =	rddreg [dreg:$0x0];
	s2 =	stileid.u32  }
0x5f: {  	s1 =	rddreg [dreg:$0x1];
	p0 =	sne.s32 s2, $0x0  }
0x60: {  	s3 =	rddreg [dreg:$0x2];
	[bflag:$0x3] =	sbarrier.arrive $0xFFFF;
	s2 =	simm.s32 @!p0 $0x1C02  }
0x61: {  	[timem:s3], [sflag:s2] =	dma.local @!p0 [hbm:s0], s1  }
0x62: {  	s0 =	simm.s32 @!p0 $0x2  }
0x63: {  	_ =	swait.ge @!p0 [sflag:s0], s1  }
0x64: {  	s1 =	ssub.s32 @!p0 $0x0, s1;
	[sflag:s0] =	ssyncset.done @!p0 $0x0  }
0x65: {  	[sflag:s0] =	ssyncadd.s32 @!p0 s1  }
0x66: {  	[bflag:$0x3] =	sbarrier.arrive $0xFFFF  }
0x67: {  	_ =	shalt  }

</sc_bundles>
